<compile_context>
chip_gen: v7x
topology: tpu7x:2x2x1
jax: 0.10.2.dev20260603
libtpu: 0.0.44.dev20260713+nightly
codegen_flags: <defaults>
</compile_context>

<pallas_src>
import functools

import jax
import jax.numpy as jnp
from jax import lax
from jax.experimental import pallas as pl
from jax.experimental.pallas import tpu as pltpu
from jax.experimental.pallas import tpu_sc as plsc

_L = 16
_NC = 2
_NS = 16
_NW = _NC * _NS
_IDXW = 128
_GPC = 8
_C = _IDXW * _GPC
_RW = 16


@functools.partial(jax.jit, static_argnames=("n_chunks", "iters"))
def _sc_repulsion(pos16, srcg, dstg, sig_flat, n_chunks, iters):
  e_out = n_chunks * _C + _C
  mesh = plsc.VectorSubcoreMesh(
      core_axis_name="c", subcore_axis_name="s",
      num_cores=_NC, num_subcores=_NS)

  @functools.partial(
      pl.kernel,
      out_type=jax.ShapeDtypeStruct((e_out,), jnp.float32),
      mesh=mesh,
      scratch_types=[
          pltpu.VMEM((2 * _C,), jnp.int32),
          pltpu.VMEM((2 * _C,), jnp.int32),
          pltpu.VMEM((_C, _RW), jnp.float32),
          pltpu.VMEM((_C, _RW), jnp.float32),
          pltpu.VMEM((_C, _RW), jnp.float32),
          pltpu.VMEM((_C, _RW), jnp.float32),
          pltpu.VMEM((_C,), jnp.float32),
          pltpu.VMEM((_C,), jnp.float32),
          pltpu.VMEM((_L,), jnp.float32),
          pltpu.SemaphoreType.DMA,
          pltpu.SemaphoreType.DMA,
          pltpu.SemaphoreType.DMA,
          pltpu.SemaphoreType.DMA,
          pltpu.SemaphoreType.DMA,
          pltpu.SemaphoreType.DMA,
      ],
      compiler_params=pltpu.CompilerParams(
          needs_layout_passes=False, use_tc_tiling_on_sc=False),
  )
  def run(pos_hbm, src_hbm, dst_hbm, sig_hbm, out_hbm,
          idx0, idx1, rs0, rs1, rd0, rd1, ov0, ov1, sig_v,
          ss0, ss1, gs0, gs1, ws0, ws1):
    idx2 = (idx0, idx1)
    rows_s = (rs0, rs1)
    rows_d = (rd0, rd1)
    out_v = (ov0, ov1)
    ssem = (ss0, ss1)
    gsem = (gs0, gs1)
    wsem = (ws0, ws1)

    wid = lax.axis_index("s") * _NC + lax.axis_index("c")
    pltpu.sync_copy(sig_hbm, sig_v)
    lane = lax.iota(jnp.int32, _L)
    zero = jnp.zeros((_L,), jnp.int32)

    def in_off(k):
      cid = wid + k * _NW
      return jnp.where(cid < n_chunks, cid, 0) * _C

    def out_off(k):
      cid = wid + k * _NW
      return jnp.where(cid < n_chunks, cid, n_chunks) * _C

    def fire_stage(k, b):
      r0 = in_off(k)
      pltpu.async_copy(
          src_hbm.at[pl.ds(r0, _C)], idx2[b].at[pl.ds(0, _C)], ssem[b])
      pltpu.async_copy(
          dst_hbm.at[pl.ds(r0, _C)], idx2[b].at[pl.ds(_C, _C)], ssem[b])

    def wait_stage(b):
      pltpu.make_async_copy(
          src_hbm.at[pl.ds(0, 2 * _C)], idx2[b], ssem[b]).wait()

    def fire_gather(b):
      for j in range(_GPC):
        pltpu.async_copy(
            pos_hbm.at[idx2[b].at[pl.ds(j * _IDXW, _IDXW)]],
            rows_s[b].at[pl.ds(j * _IDXW, _IDXW)], gsem[b])
        pltpu.async_copy(
            pos_hbm.at[idx2[b].at[pl.ds(_C + j * _IDXW, _IDXW)]],
            rows_d[b].at[pl.ds(j * _IDXW, _IDXW)], gsem[b])

    def wait_gather(b):
      pltpu.make_async_copy(pos_hbm.at[pl.ds(0, _C)], rows_s[b], gsem[b]).wait()
      pltpu.make_async_copy(pos_hbm.at[pl.ds(0, _C)], rows_d[b], gsem[b]).wait()

    def wait_wb(b):
      pltpu.make_async_copy(out_hbm.at[pl.ds(0, _C)], out_v[b], wsem[b]).wait()

    def compute(k, b):
      rs, rd, ov = rows_s[b], rows_d[b], out_v[b]

      def group(g, _):
        r = g * _L + lane
        ax = plsc.load_gather(rs, [r, zero])
        ay = plsc.load_gather(rs, [r, zero + 1])
        az = plsc.load_gather(rs, [r, zero + 2])
        at = plsc.load_gather(rs, [r, zero + 3])
        bx = plsc.load_gather(rd, [r, zero])
        by = plsc.load_gather(rd, [r, zero + 1])
        bz = plsc.load_gather(rd, [r, zero + 2])
        bt = plsc.load_gather(rd, [r, zero + 3])
        dx = ax - bx
        dy = ay - by
        dz = az - bz
        d2 = dx * dx + dy * dy + dz * dz
        ti = at.astype(jnp.int32) * 4 + bt.astype(jnp.int32)
        s = plsc.load_gather(sig_v, [ti])
        rr = (s * s) / d2
        ov[pl.ds(g * _L, _L)] = rr * rr * rr
        return 0

      lax.fori_loop(0, _C // _L, group, 0)
      pltpu.async_copy(ov, out_hbm.at[pl.ds(out_off(k), _C)], wsem[b])

    fire_stage(0, 0)
    fire_stage(1, 1)
    wait_stage(0)
    fire_gather(0)
    pltpu.async_copy(out_v[0], out_hbm.at[pl.ds(n_chunks * _C, _C)], wsem[0])
    pltpu.async_copy(out_v[1], out_hbm.at[pl.ds(n_chunks * _C, _C)], wsem[1])

    def body(k2, _):
      k0 = k2 * 2
      for b in (0, 1):
        k = k0 + b
        wait_gather(b)
        fire_stage(k + 2, b)
        wait_stage(1 - b)
        fire_gather(1 - b)
        wait_wb(b)
        compute(k, b)
      return 0

    lax.fori_loop(0, iters // 2, body, 0)

    wait_gather(0)
    wait_stage(1)
    wait_wb(0)
    wait_wb(1)

  return run(pos16, srcg, dstg, sig_flat)


def kernel(pos, mapping, atom_types, sigma):
  n_edges = mapping.shape[1]
  pos16 = jnp.concatenate(
      [pos.astype(jnp.float32), atom_types.astype(jnp.float32)[:, None],
       jnp.zeros((pos.shape[0], _RW - 4), jnp.float32)],
      axis=1)
  src = mapping[0].astype(jnp.int32)
  dst = mapping[1].astype(jnp.int32)
  e_pad = -(-n_edges // _C) * _C
  if e_pad != n_edges:
    fill = jnp.zeros((e_pad - n_edges,), jnp.int32)
    src = jnp.concatenate([src, fill])
    dst = jnp.concatenate([dst, fill])
  sig_flat = sigma.astype(jnp.float32).reshape(-1)
  n_chunks = e_pad // _C
  iters = -(-n_chunks // _NW)
  iters = iters + (iters % 2)
  out = _sc_repulsion(pos16, src, dst, sig_flat, n_chunks, iters)
  return out[:n_edges]

# --- scband reference (transcript-rebuilt; emitter-appended) ---
"""Pipeline reference for scband-repulsion-10110353015243 (READ-ONLY COPY).

The authoritative reference and input builder live on the scoring server;
editing this copy changes nothing except your own understanding.
"""

import jax, jax.numpy as jnp
import numpy as np

N_NODES = 100000
N_EDGES = 6400000
N_TYPES = 4


def setup_inputs(seed: int = 0) -> dict:
    key = jax.random.key(seed)
    k1, k2, k3, k4 = jax.random.split(key, 4)
    # positions spread out so pair distances are not pathologically small
    pos = jax.random.normal(k1, (N_NODES, 3), dtype=jnp.float32) * 10.0
    # fully-connected-style sampled neighbor list: [2, E] index mapping
    mapping = jax.random.randint(k2, (2, N_EDGES), 0, N_NODES, dtype=jnp.int64)
    # per-node atom types (non-negative indices into the sigma table)
    atom_types = jax.random.randint(k3, (N_NODES,), 0, N_TYPES, dtype=jnp.int64)
    # learned/fit buffer: pairwise sigma table (symmetric in spirit, values in [0.5, 1.5))
    sigma = jax.random.uniform(k4, (N_TYPES, N_TYPES), dtype=jnp.float32, minval=0.5, maxval=1.5)
    return {"pos": pos, "mapping": mapping, "atom_types": atom_types, "sigma": sigma}


def _compute_distances(pos, mapping):
    # gather both endpoints of every edge and take the Euclidean norm
    src = jnp.take(pos, mapping[0], axis=0)
    dst = jnp.take(pos, mapping[1], axis=0)
    diff = src - dst
    return jnp.sqrt(jnp.sum(diff * diff, axis=-1))


def reference(pos, mapping, atom_types, sigma):
    # interaction_types = [atom_types[mapping[ii]] for ii in range(order=2)]
    t0 = jnp.take(atom_types, mapping[0], axis=0)
    t1 = jnp.take(atom_types, mapping[1], axis=0)
    # features = compute_distances(pos, mapping)
    x = _compute_distances(pos, mapping)
    # sigma[interaction_types] -> per-edge sigma
    s = sigma[t0, t1]
    # Repulsion.compute: rr = (sigma/x)**2 ; energy = rr**3 = (sigma/x)**6
    ratio = s / x
    rr = ratio * ratio
    y = rr * rr * rr
    return y

if __name__ == "__main__":
    import jax
    _d = setup_inputs()
    print(jax.jit(kernel)(*tuple(_d.values())))

</pallas_src>

<mosaic_0001>
#map = affine_map<(d0, d1) -> (0, 0)>
#map1 = affine_map<(d0, d1) -> (0)>
module attributes {stable_mosaic.version = 14 : i64} {
  func.func @run(%arg0: i32, %arg1: i32, %arg2: memref<100000x16xf32, #tpu.memory_space<hbm>>, %arg3: memref<6400000xi32, #tpu.memory_space<hbm>>, %arg4: memref<6400000xi32, #tpu.memory_space<hbm>>, %arg5: memref<16xf32, #tpu.memory_space<hbm>>, %arg6: memref<6401024xf32, #tpu.memory_space<hbm>>, %arg7: memref<2048xi32, #tpu.memory_space<vmem>>, %arg8: memref<2048xi32, #tpu.memory_space<vmem>>, %arg9: memref<1024x16xf32, #tpu.memory_space<vmem>>, %arg10: memref<1024x16xf32, #tpu.memory_space<vmem>>, %arg11: memref<1024x16xf32, #tpu.memory_space<vmem>>, %arg12: memref<1024x16xf32, #tpu.memory_space<vmem>>, %arg13: memref<1024xf32, #tpu.memory_space<vmem>>, %arg14: memref<1024xf32, #tpu.memory_space<vmem>>, %arg15: memref<16xf32, #tpu.memory_space<vmem>>, %arg16: memref<!tpu.dma_semaphore, #tpu.memory_space<semaphore_mem>>, %arg17: memref<!tpu.dma_semaphore, #tpu.memory_space<semaphore_mem>>, %arg18: memref<!tpu.dma_semaphore, #tpu.memory_space<semaphore_mem>>, %arg19: memref<!tpu.dma_semaphore, #tpu.memory_space<semaphore_mem>>, %arg20: memref<!tpu.dma_semaphore, #tpu.memory_space<semaphore_mem>>, %arg21: memref<!tpu.dma_semaphore, #tpu.memory_space<semaphore_mem>>) attributes {dimension_semantics = [#tpu.dimension_semantics<core_parallel>, #tpu.dimension_semantics<subcore_parallel>], iteration_bounds = array<i64: 2, 16>, scalar_prefetch = 0 : i64, scratch_operands = 15 : i64, tpu.core_type = #tpu.core_type<sc_vector_subcore>, window_params = [{transform_indices = #map}, {transform_indices = #map1}, {transform_indices = #map1}, {transform_indices = #map1}, {transform_indices = #map1}]} {
    %mul3A = arith.constant 2 : i32
    %mul3A_0 = arith.muli %arg1, %mul3A : i32
    %add3A = arith.addi %mul3A_0, %arg0 : i32
    "tpu.region"() ({
      %run_scoped3A = tpu.sem_alloc : memref<!tpu.dma_semaphore, #tpu.memory_space<semaphore_mem>>
      tpu.enqueue_dma source(%arg5 : memref<16xf32, #tpu.memory_space<hbm>>) target(%arg15 : memref<16xf32, #tpu.memory_space<vmem>>) target_semaphore(%run_scoped3A : memref<!tpu.dma_semaphore, #tpu.memory_space<semaphore_mem>>)
      tpu.wait_dma2 semaphore(%run_scoped3A : memref<!tpu.dma_semaphore, #tpu.memory_space<semaphore_mem>>) src(%arg5 : memref<16xf32, #tpu.memory_space<hbm>>) dst(%arg15 : memref<16xf32, #tpu.memory_space<vmem>>)
      tpu.yield
    }) : () -> ()
    %iota3A = tpu.iota {dimensions = array<i32: 0>} : vector<16xi32>
    %broadcast_in_dim3A = arith.constant 0 : i32
    %broadcast_in_dim3A_1 = vector.broadcast %broadcast_in_dim3A : i32 to vector<16xi32>
    %add3A_2 = arith.constant 0 : i32
    %add3A_3 = arith.addi %add3A, %add3A_2 : i32
    %lt3A = arith.constant 6250 : i32
    %lt3A_4 = arith.cmpi slt, %add3A_3, %lt3A : i32
    %jit3A = arith.constant 0 : i32
    %select_n3A = arith.select %lt3A_4, %add3A_3, %jit3A : i32
    %mul3A_5 = arith.constant 1024 : i32
    %mul3A_6 = arith.muli %select_n3A, %mul3A_5 : i32
    %dma_start3A = arith.constant 0 : i32
    %dma_start3A_7 = tpu.memref_slice %arg7[%dma_start3A] : memref<2048xi32, #tpu.memory_space<vmem>> -> memref<1024xi32, #tpu.memory_space<vmem>>
    %dma_start3A_8 = tpu.memref_slice %arg3[%mul3A_6] : memref<6400000xi32, #tpu.memory_space<hbm>> -> memref<1024xi32, #tpu.memory_space<hbm>>
    %dma_start3A_9 = arith.constant 0 : i32
    %dma_start3A_10 = tpu.memref_slice %arg7[%dma_start3A_9] : memref<2048xi32, #tpu.memory_space<vmem>> -> memref<1024xi32, #tpu.memory_space<vmem>>
    %dma_start3A_11 = tpu.memref_slice %arg3[%mul3A_6] : memref<6400000xi32, #tpu.memory_space<hbm>> -> memref<1024xi32, #tpu.memory_space<hbm>>
    tpu.enqueue_dma source(%dma_start3A_11 : memref<1024xi32, #tpu.memory_space<hbm>>) target(%dma_start3A_10 : memref<1024xi32, #tpu.memory_space<vmem>>) target_semaphore(%arg16 : memref<!tpu.dma_semaphore, #tpu.memory_space<semaphore_mem>>)
    %dma_start3A_12 = arith.constant 1024 : i32
    %dma_start3A_13 = tpu.memref_slice %arg7[%dma_start3A_12] : memref<2048xi32, #tpu.memory_space<vmem>> -> memref<1024xi32, #tpu.memory_space<vmem>>
    %dma_start3A_14 = tpu.memref_slice %arg4[%mul3A_6] : memref<6400000xi32, #tpu.memory_space<hbm>> -> memref<1024xi32, #tpu.memory_space<hbm>>
    %dma_start3A_15 = arith.constant 1024 : i32
    %dma_start3A_16 = tpu.memref_slice %arg7[%dma_start3A_15] : memref<2048xi32, #tpu.memory_space<vmem>> -> memref<1024xi32, #tpu.memory_space<vmem>>
    %dma_start3A_17 = tpu.memref_slice %arg4[%mul3A_6] : memref<6400000xi32, #tpu.memory_space<hbm>> -> memref<1024xi32, #tpu.memory_space<hbm>>
    tpu.enqueue_dma source(%dma_start3A_17 : memref<1024xi32, #tpu.memory_space<hbm>>) target(%dma_start3A_16 : memref<1024xi32, #tpu.memory_space<vmem>>) target_semaphore(%arg16 : memref<!tpu.dma_semaphore, #tpu.memory_space<semaphore_mem>>)
    %add3A_18 = arith.constant 32 : i32
    %add3A_19 = arith.addi %add3A, %add3A_18 : i32
    %lt3A_20 = arith.constant 6250 : i32
    %lt3A_21 = arith.cmpi slt, %add3A_19, %lt3A_20 : i32
    %jit3A_22 = arith.constant 0 : i32
    %select_n3A_23 = arith.select %lt3A_21, %add3A_19, %jit3A_22 : i32
    %mul3A_24 = arith.constant 1024 : i32
    %mul3A_25 = arith.muli %select_n3A_23, %mul3A_24 : i32
    %dma_start3A_26 = arith.constant 0 : i32
    %dma_start3A_27 = tpu.memref_slice %arg8[%dma_start3A_26] : memref<2048xi32, #tpu.memory_space<vmem>> -> memref<1024xi32, #tpu.memory_space<vmem>>
    %dma_start3A_28 = tpu.memref_slice %arg3[%mul3A_25] : memref<6400000xi32, #tpu.memory_space<hbm>> -> memref<1024xi32, #tpu.memory_space<hbm>>
    %dma_start3A_29 = arith.constant 0 : i32
    %dma_start3A_30 = tpu.memref_slice %arg8[%dma_start3A_29] : memref<2048xi32, #tpu.memory_space<vmem>> -> memref<1024xi32, #tpu.memory_space<vmem>>
    %dma_start3A_31 = tpu.memref_slice %arg3[%mul3A_25] : memref<6400000xi32, #tpu.memory_space<hbm>> -> memref<1024xi32, #tpu.memory_space<hbm>>
    tpu.enqueue_dma source(%dma_start3A_31 : memref<1024xi32, #tpu.memory_space<hbm>>) target(%dma_start3A_30 : memref<1024xi32, #tpu.memory_space<vmem>>) target_semaphore(%arg17 : memref<!tpu.dma_semaphore, #tpu.memory_space<semaphore_mem>>)
    %dma_start3A_32 = arith.constant 1024 : i32
    %dma_start3A_33 = tpu.memref_slice %arg8[%dma_start3A_32] : memref<2048xi32, #tpu.memory_space<vmem>> -> memref<1024xi32, #tpu.memory_space<vmem>>
    %dma_start3A_34 = tpu.memref_slice %arg4[%mul3A_25] : memref<6400000xi32, #tpu.memory_space<hbm>> -> memref<1024xi32, #tpu.memory_space<hbm>>
    %dma_start3A_35 = arith.constant 1024 : i32
    %dma_start3A_36 = tpu.memref_slice %arg8[%dma_start3A_35] : memref<2048xi32, #tpu.memory_space<vmem>> -> memref<1024xi32, #tpu.memory_space<vmem>>
    %dma_start3A_37 = tpu.memref_slice %arg4[%mul3A_25] : memref<6400000xi32, #tpu.memory_space<hbm>> -> memref<1024xi32, #tpu.memory_space<hbm>>
    tpu.enqueue_dma source(%dma_start3A_37 : memref<1024xi32, #tpu.memory_space<hbm>>) target(%dma_start3A_36 : memref<1024xi32, #tpu.memory_space<vmem>>) target_semaphore(%arg17 : memref<!tpu.dma_semaphore, #tpu.memory_space<semaphore_mem>>)
    %dma_wait3A = arith.constant 0 : i32
    %dma_wait3A_38 = tpu.memref_slice %arg3[%dma_wait3A] : memref<6400000xi32, #tpu.memory_space<hbm>> -> memref<2048xi32, #tpu.memory_space<hbm>>
    %dma_wait3A_39 = arith.constant 0 : i32
    %dma_wait3A_40 = tpu.memref_slice %arg3[%dma_wait3A_39] : memref<6400000xi32, #tpu.memory_space<hbm>> -> memref<2048xi32, #tpu.memory_space<hbm>>
    tpu.wait_dma2 semaphore(%arg16 : memref<!tpu.dma_semaphore, #tpu.memory_space<semaphore_mem>>) src(%dma_wait3A_40 : memref<2048xi32, #tpu.memory_space<hbm>>) dst(%arg7 : memref<2048xi32, #tpu.memory_space<vmem>>)
    %dma_start3A_41 = arith.constant 0 : i32
    %dma_start3A_42 = arith.constant 0 : i32
    %dma_start3A_43 = tpu.memref_slice %arg9[%dma_start3A_41, %dma_start3A_42] : memref<1024x16xf32, #tpu.memory_space<vmem>> -> memref<128x16xf32, #tpu.memory_space<vmem>>
    %dma_start3A_44 = arith.constant 0 : i32
    %dma_start3A_45 = tpu.memref_slice %arg7[%dma_start3A_44] : memref<2048xi32, #tpu.memory_space<vmem>> -> memref<128xi32, #tpu.memory_space<vmem>>
    %dma_start3A_46 = arith.constant 0 : i32
    %dma_start3A_47 = arith.constant 0 : i32
    %dma_start3A_48 = tpu.memref_slice %arg2[%dma_start3A_46, %dma_start3A_47] : memref<100000x16xf32, #tpu.memory_space<hbm>> -> memref<100000x16xf32, #tpu.memory_space<hbm>>
    tpu.enqueue_indirect_dma source(%dma_start3A_48 : memref<100000x16xf32, #tpu.memory_space<hbm>>) target(%dma_start3A_43 : memref<128x16xf32, #tpu.memory_space<vmem>>) offsets(%dma_start3A_45 : memref<128xi32, #tpu.memory_space<vmem>>) semaphore(%arg18 : memref<!tpu.dma_semaphore, #tpu.memory_space<semaphore_mem>>)
    %dma_start3A_49 = arith.constant 0 : i32
    %dma_start3A_50 = arith.constant 0 : i32
    %dma_start3A_51 = tpu.memref_slice %arg11[%dma_start3A_49, %dma_start3A_50] : memref<1024x16xf32, #tpu.memory_space<vmem>> -> memref<128x16xf32, #tpu.memory_space<vmem>>
    %dma_start3A_52 = arith.constant 1024 : i32
    %dma_start3A_53 = tpu.memref_slice %arg7[%dma_start3A_52] : memref<2048xi32, #tpu.memory_space<vmem>> -> memref<128xi32, #tpu.memory_space<vmem>>
    %dma_start3A_54 = arith.constant 0 : i32
    %dma_start3A_55 = arith.constant 0 : i32
    %dma_start3A_56 = tpu.memref_slice %arg2[%dma_start3A_54, %dma_start3A_55] : memref<100000x16xf32, #tpu.memory_space<hbm>> -> memref<100000x16xf32, #tpu.memory_space<hbm>>
    tpu.enqueue_indirect_dma source(%dma_start3A_56 : memref<100000x16xf32, #tpu.memory_space<hbm>>) target(%dma_start3A_51 : memref<128x16xf32, #tpu.memory_space<vmem>>) offsets(%dma_start3A_53 : memref<128xi32, #tpu.memory_space<vmem>>) semaphore(%arg18 : memref<!tpu.dma_semaphore, #tpu.memory_space<semaphore_mem>>)
    %dma_start3A_57 = arith.constant 128 : i32
    %dma_start3A_58 = arith.constant 0 : i32
    %dma_start3A_59 = tpu.memref_slice %arg9[%dma_start3A_57, %dma_start3A_58] : memref<1024x16xf32, #tpu.memory_space<vmem>> -> memref<128x16xf32, #tpu.memory_space<vmem>>
    %dma_start3A_60 = arith.constant 128 : i32
    %dma_start3A_61 = tpu.memref_slice %arg7[%dma_start3A_60] : memref<2048xi32, #tpu.memory_space<vmem>> -> memref<128xi32, #tpu.memory_space<vmem>>
    %dma_start3A_62 = arith.constant 0 : i32
    %dma_start3A_63 = arith.constant 0 : i32
    %dma_start3A_64 = tpu.memref_slice %arg2[%dma_start3A_62, %dma_start3A_63] : memref<100000x16xf32, #tpu.memory_space<hbm>> -> memref<100000x16xf32, #tpu.memory_space<hbm>>
    tpu.enqueue_indirect_dma source(%dma_start3A_64 : memref<100000x16xf32, #tpu.memory_space<hbm>>) target(%dma_start3A_59 : memref<128x16xf32, #tpu.memory_space<vmem>>) offsets(%dma_start3A_61 : memref<128xi32, #tpu.memory_space<vmem>>) semaphore(%arg18 : memref<!tpu.dma_semaphore, #tpu.memory_space<semaphore_mem>>)
    %dma_start3A_65 = arith.constant 128 : i32
    %dma_start3A_66 = arith.constant 0 : i32
    %dma_start3A_67 = tpu.memref_slice %arg11[%dma_start3A_65, %dma_start3A_66] : memref<1024x16xf32, #tpu.memory_space<vmem>> -> memref<128x16xf32, #tpu.memory_space<vmem>>
    %dma_start3A_68 = arith.constant 1152 : i32
    %dma_start3A_69 = tpu.memref_slice %arg7[%dma_start3A_68] : memref<2048xi32, #tpu.memory_space<vmem>> -> memref<128xi32, #tpu.memory_space<vmem>>
    %dma_start3A_70 = arith.constant 0 : i32
    %dma_start3A_71 = arith.constant 0 : i32
    %dma_start3A_72 = tpu.memref_slice %arg2[%dma_start3A_70, %dma_start3A_71] : memref<100000x16xf32, #tpu.memory_space<hbm>> -> memref<100000x16xf32, #tpu.memory_space<hbm>>
    tpu.enqueue_indirect_dma source(%dma_start3A_72 : memref<100000x16xf32, #tpu.memory_space<hbm>>) target(%dma_start3A_67 : memref<128x16xf32, #tpu.memory_space<vmem>>) offsets(%dma_start3A_69 : memref<128xi32, #tpu.memory_space<vmem>>) semaphore(%arg18 : memref<!tpu.dma_semaphore, #tpu.memory_space<semaphore_mem>>)
    %dma_start3A_73 = arith.constant 256 : i32
    %dma_start3A_74 = arith.constant 0 : i32
    %dma_start3A_75 = tpu.memref_slice %arg9[%dma_start3A_73, %dma_start3A_74] : memref<1024x16xf32, #tpu.memory_space<vmem>> -> memref<128x16xf32, #tpu.memory_space<vmem>>
    %dma_start3A_76 = arith.constant 256 : i32
    %dma_start3A_77 = tpu.memref_slice %arg7[%dma_start3A_76] : memref<2048xi32, #tpu.memory_space<vmem>> -> memref<128xi32, #tpu.memory_space<vmem>>
    %dma_start3A_78 = arith.constant 0 : i32
    %dma_start3A_79 = arith.constant 0 : i32
    %dma_start3A_80 = tpu.memref_slice %arg2[%dma_start3A_78, %dma_start3A_79] : memref<100000x16xf32, #tpu.memory_space<hbm>> -> memref<100000x16xf32, #tpu.memory_space<hbm>>
    tpu.enqueue_indirect_dma source(%dma_start3A_80 : memref<100000x16xf32, #tpu.memory_space<hbm>>) target(%dma_start3A_75 : memref<128x16xf32, #tpu.memory_space<vmem>>) offsets(%dma_start3A_77 : memref<128xi32, #tpu.memory_space<vmem>>) semaphore(%arg18 : memref<!tpu.dma_semaphore, #tpu.memory_space<semaphore_mem>>)
    %dma_start3A_81 = arith.constant 256 : i32
    %dma_start3A_82 = arith.constant 0 : i32
    %dma_start3A_83 = tpu.memref_slice %arg11[%dma_start3A_81, %dma_start3A_82] : memref<1024x16xf32, #tpu.memory_space<vmem>> -> memref<128x16xf32, #tpu.memory_space<vmem>>
    %dma_start3A_84 = arith.constant 1280 : i32
    %dma_start3A_85 = tpu.memref_slice %arg7[%dma_start3A_84] : memref<2048xi32, #tpu.memory_space<vmem>> -> memref<128xi32, #tpu.memory_space<vmem>>
    %dma_start3A_86 = arith.constant 0 : i32
    %dma_start3A_87 = arith.constant 0 : i32
    %dma_start3A_88 = tpu.memref_slice %arg2[%dma_start3A_86, %dma_start3A_87] : memref<100000x16xf32, #tpu.memory_space<hbm>> -> memref<100000x16xf32, #tpu.memory_space<hbm>>
    tpu.enqueue_indirect_dma source(%dma_start3A_88 : memref<100000x16xf32, #tpu.memory_space<hbm>>) target(%dma_start3A_83 : memref<128x16xf32, #tpu.memory_space<vmem>>) offsets(%dma_start3A_85 : memref<128xi32, #tpu.memory_space<vmem>>) semaphore(%arg18 : memref<!tpu.dma_semaphore, #tpu.memory_space<semaphore_mem>>)
    %dma_start3A_89 = arith.constant 384 : i32
    %dma_start3A_90 = arith.constant 0 : i32
    %dma_start3A_91 = tpu.memref_slice %arg9[%dma_start3A_89, %dma_start3A_90] : memref<1024x16xf32, #tpu.memory_space<vmem>> -> memref<128x16xf32, #tpu.memory_space<vmem>>
    %dma_start3A_92 = arith.constant 384 : i32
    %dma_start3A_93 = tpu.memref_slice %arg7[%dma_start3A_92] : memref<2048xi32, #tpu.memory_space<vmem>> -> memref<128xi32, #tpu.memory_space<vmem>>
    %dma_start3A_94 = arith.constant 0 : i32
    %dma_start3A_95 = arith.constant 0 : i32
    %dma_start3A_96 = tpu.memref_slice %arg2[%dma_start3A_94, %dma_start3A_95] : memref<100000x16xf32, #tpu.memory_space<hbm>> -> memref<100000x16xf32, #tpu.memory_space<hbm>>
    tpu.enqueue_indirect_dma source(%dma_start3A_96 : memref<100000x16xf32, #tpu.memory_space<hbm>>) target(%dma_start3A_91 : memref<128x16xf32, #tpu.memory_space<vmem>>) offsets(%dma_start3A_93 : memref<128xi32, #tpu.memory_space<vmem>>) semaphore(%arg18 : memref<!tpu.dma_semaphore, #tpu.memory_space<semaphore_mem>>)
    %dma_start3A_97 = arith.constant 384 : i32
    %dma_start3A_98 = arith.constant 0 : i32
    %dma_start3A_99 = tpu.memref_slice %arg11[%dma_start3A_97, %dma_start3A_98] : memref<1024x16xf32, #tpu.memory_space<vmem>> -> memref<128x16xf32, #tpu.memory_space<vmem>>
    %dma_start3A_100 = arith.constant 1408 : i32
    %dma_start3A_101 = tpu.memref_slice %arg7[%dma_start3A_100] : memref<2048xi32, #tpu.memory_space<vmem>> -> memref<128xi32, #tpu.memory_space<vmem>>
    %dma_start3A_102 = arith.constant 0 : i32
    %dma_start3A_103 = arith.constant 0 : i32
    %dma_start3A_104 = tpu.memref_slice %arg2[%dma_start3A_102, %dma_start3A_103] : memref<100000x16xf32, #tpu.memory_space<hbm>> -> memref<100000x16xf32, #tpu.memory_space<hbm>>
    tpu.enqueue_indirect_dma source(%dma_start3A_104 : memref<100000x16xf32, #tpu.memory_space<hbm>>) target(%dma_start3A_99 : memref<128x16xf32, #tpu.memory_space<vmem>>) offsets(%dma_start3A_101 : memref<128xi32, #tpu.memory_space<vmem>>) semaphore(%arg18 : memref<!tpu.dma_semaphore, #tpu.memory_space<semaphore_mem>>)
    %dma_start3A_105 = arith.constant 512 : i32
    %dma_start3A_106 = arith.constant 0 : i32
    %dma_start3A_107 = tpu.memref_slice %arg9[%dma_start3A_105, %dma_start3A_106] : memref<1024x16xf32, #tpu.memory_space<vmem>> -> memref<128x16xf32, #tpu.memory_space<vmem>>
    %dma_start3A_108 = arith.constant 512 : i32
    %dma_start3A_109 = tpu.memref_slice %arg7[%dma_start3A_108] : memref<2048xi32, #tpu.memory_space<vmem>> -> memref<128xi32, #tpu.memory_space<vmem>>
    %dma_start3A_110 = arith.constant 0 : i32
    %dma_start3A_111 = arith.constant 0 : i32
    %dma_start3A_112 = tpu.memref_slice %arg2[%dma_start3A_110, %dma_start3A_111] : memref<100000x16xf32, #tpu.memory_space<hbm>> -> memref<100000x16xf32, #tpu.memory_space<hbm>>
    tpu.enqueue_indirect_dma source(%dma_start3A_112 : memref<100000x16xf32, #tpu.memory_space<hbm>>) target(%dma_start3A_107 : memref<128x16xf32, #tpu.memory_space<vmem>>) offsets(%dma_start3A_109 : memref<128xi32, #tpu.memory_space<vmem>>) semaphore(%arg18 : memref<!tpu.dma_semaphore, #tpu.memory_space<semaphore_mem>>)
    %dma_start3A_113 = arith.constant 512 : i32
    %dma_start3A_114 = arith.constant 0 : i32
    %dma_start3A_115 = tpu.memref_slice %arg11[%dma_start3A_113, %dma_start3A_114] : memref<1024x16xf32, #tpu.memory_space<vmem>> -> memref<128x16xf32, #tpu.memory_space<vmem>>
    %dma_start3A_116 = arith.constant 1536 : i32
    %dma_start3A_117 = tpu.memref_slice %arg7[%dma_start3A_116] : memref<2048xi32, #tpu.memory_space<vmem>> -> memref<128xi32, #tpu.memory_space<vmem>>
    %dma_start3A_118 = arith.constant 0 : i32
    %dma_start3A_119 = arith.constant 0 : i32
    %dma_start3A_120 = tpu.memref_slice %arg2[%dma_start3A_118, %dma_start3A_119] : memref<100000x16xf32, #tpu.memory_space<hbm>> -> memref<100000x16xf32, #tpu.memory_space<hbm>>
    tpu.enqueue_indirect_dma source(%dma_start3A_120 : memref<100000x16xf32, #tpu.memory_space<hbm>>) target(%dma_start3A_115 : memref<128x16xf32, #tpu.memory_space<vmem>>) offsets(%dma_start3A_117 : memref<128xi32, #tpu.memory_space<vmem>>) semaphore(%arg18 : memref<!tpu.dma_semaphore, #tpu.memory_space<semaphore_mem>>)
    %dma_start3A_121 = arith.constant 640 : i32
    %dma_start3A_122 = arith.constant 0 : i32
    %dma_start3A_123 = tpu.memref_slice %arg9[%dma_start3A_121, %dma_start3A_122] : memref<1024x16xf32, #tpu.memory_space<vmem>> -> memref<128x16xf32, #tpu.memory_space<vmem>>
    %dma_start3A_124 = arith.constant 640 : i32
    %dma_start3A_125 = tpu.memref_slice %arg7[%dma_start3A_124] : memref<2048xi32, #tpu.memory_space<vmem>> -> memref<128xi32, #tpu.memory_space<vmem>>
    %dma_start3A_126 = arith.constant 0 : i32
    %dma_start3A_127 = arith.constant 0 : i32
    %dma_start3A_128 = tpu.memref_slice %arg2[%dma_start3A_126, %dma_start3A_127] : memref<100000x16xf32, #tpu.memory_space<hbm>> -> memref<100000x16xf32, #tpu.memory_space<hbm>>
    tpu.enqueue_indirect_dma source(%dma_start3A_128 : memref<100000x16xf32, #tpu.memory_space<hbm>>) target(%dma_start3A_123 : memref<128x16xf32, #tpu.memory_space<vmem>>) offsets(%dma_start3A_125 : memref<128xi32, #tpu.memory_space<vmem>>) semaphore(%arg18 : memref<!tpu.dma_semaphore, #tpu.memory_space<semaphore_mem>>)
    %dma_start3A_129 = arith.constant 640 : i32
    %dma_start3A_130 = arith.constant 0 : i32
    %dma_start3A_131 = tpu.memref_slice %arg11[%dma_start3A_129, %dma_start3A_130] : memref<1024x16xf32, #tpu.memory_space<vmem>> -> memref<128x16xf32, #tpu.memory_space<vmem>>
    %dma_start3A_132 = arith.constant 1664 : i32
    %dma_start3A_133 = tpu.memref_slice %arg7[%dma_start3A_132] : memref<2048xi32, #tpu.memory_space<vmem>> -> memref<128xi32, #tpu.memory_space<vmem>>
    %dma_start3A_134 = arith.constant 0 : i32
    %dma_start3A_135 = arith.constant 0 : i32
    %dma_start3A_136 = tpu.memref_slice %arg2[%dma_start3A_134, %dma_start3A_135] : memref<100000x16xf32, #tpu.memory_space<hbm>> -> memref<100000x16xf32, #tpu.memory_space<hbm>>
    tpu.enqueue_indirect_dma source(%dma_start3A_136 : memref<100000x16xf32, #tpu.memory_space<hbm>>) target(%dma_start3A_131 : memref<128x16xf32, #tpu.memory_space<vmem>>) offsets(%dma_start3A_133 : memref<128xi32, #tpu.memory_space<vmem>>) semaphore(%arg18 : memref<!tpu.dma_semaphore, #tpu.memory_space<semaphore_mem>>)
    %dma_start3A_137 = arith.constant 768 : i32
    %dma_start3A_138 = arith.constant 0 : i32
    %dma_start3A_139 = tpu.memref_slice %arg9[%dma_start3A_137, %dma_start3A_138] : memref<1024x16xf32, #tpu.memory_space<vmem>> -> memref<128x16xf32, #tpu.memory_space<vmem>>
    %dma_start3A_140 = arith.constant 768 : i32
    %dma_start3A_141 = tpu.memref_slice %arg7[%dma_start3A_140] : memref<2048xi32, #tpu.memory_space<vmem>> -> memref<128xi32, #tpu.memory_space<vmem>>
    %dma_start3A_142 = arith.constant 0 : i32
    %dma_start3A_143 = arith.constant 0 : i32
    %dma_start3A_144 = tpu.memref_slice %arg2[%dma_start3A_142, %dma_start3A_143] : memref<100000x16xf32, #tpu.memory_space<hbm>> -> memref<100000x16xf32, #tpu.memory_space<hbm>>
    tpu.enqueue_indirect_dma source(%dma_start3A_144 : memref<100000x16xf32, #tpu.memory_space<hbm>>) target(%dma_start3A_139 : memref<128x16xf32, #tpu.memory_space<vmem>>) offsets(%dma_start3A_141 : memref<128xi32, #tpu.memory_space<vmem>>) semaphore(%arg18 : memref<!tpu.dma_semaphore, #tpu.memory_space<semaphore_mem>>)
    %dma_start3A_145 = arith.constant 768 : i32
    %dma_start3A_146 = arith.constant 0 : i32
    %dma_start3A_147 = tpu.memref_slice %arg11[%dma_start3A_145, %dma_start3A_146] : memref<1024x16xf32, #tpu.memory_space<vmem>> -> memref<128x16xf32, #tpu.memory_space<vmem>>
    %dma_start3A_148 = arith.constant 1792 : i32
    %dma_start3A_149 = tpu.memref_slice %arg7[%dma_start3A_148] : memref<2048xi32, #tpu.memory_space<vmem>> -> memref<128xi32, #tpu.memory_space<vmem>>
    %dma_start3A_150 = arith.constant 0 : i32
    %dma_start3A_151 = arith.constant 0 : i32
    %dma_start3A_152 = tpu.memref_slice %arg2[%dma_start3A_150, %dma_start3A_151] : memref<100000x16xf32, #tpu.memory_space<hbm>> -> memref<100000x16xf32, #tpu.memory_space<hbm>>
    tpu.enqueue_indirect_dma source(%dma_start3A_152 : memref<100000x16xf32, #tpu.memory_space<hbm>>) target(%dma_start3A_147 : memref<128x16xf32, #tpu.memory_space<vmem>>) offsets(%dma_start3A_149 : memref<128xi32, #tpu.memory_space<vmem>>) semaphore(%arg18 : memref<!tpu.dma_semaphore, #tpu.memory_space<semaphore_mem>>)
    %dma_start3A_153 = arith.constant 896 : i32
    %dma_start3A_154 = arith.constant 0 : i32
    %dma_start3A_155 = tpu.memref_slice %arg9[%dma_start3A_153, %dma_start3A_154] : memref<1024x16xf32, #tpu.memory_space<vmem>> -> memref<128x16xf32, #tpu.memory_space<vmem>>
    %dma_start3A_156 = arith.constant 896 : i32
    %dma_start3A_157 = tpu.memref_slice %arg7[%dma_start3A_156] : memref<2048xi32, #tpu.memory_space<vmem>> -> memref<128xi32, #tpu.memory_space<vmem>>
    %dma_start3A_158 = arith.constant 0 : i32
    %dma_start3A_159 = arith.constant 0 : i32
    %dma_start3A_160 = tpu.memref_slice %arg2[%dma_start3A_158, %dma_start3A_159] : memref<100000x16xf32, #tpu.memory_space<hbm>> -> memref<100000x16xf32, #tpu.memory_space<hbm>>
    tpu.enqueue_indirect_dma source(%dma_start3A_160 : memref<100000x16xf32, #tpu.memory_space<hbm>>) target(%dma_start3A_155 : memref<128x16xf32, #tpu.memory_space<vmem>>) offsets(%dma_start3A_157 : memref<128xi32, #tpu.memory_space<vmem>>) semaphore(%arg18 : memref<!tpu.dma_semaphore, #tpu.memory_space<semaphore_mem>>)
    %dma_start3A_161 = arith.constant 896 : i32
    %dma_start3A_162 = arith.constant 0 : i32
    %dma_start3A_163 = tpu.memref_slice %arg11[%dma_start3A_161, %dma_start3A_162] : memref<1024x16xf32, #tpu.memory_space<vmem>> -> memref<128x16xf32, #tpu.memory_space<vmem>>
    %dma_start3A_164 = arith.constant 1920 : i32
    %dma_start3A_165 = tpu.memref_slice %arg7[%dma_start3A_164] : memref<2048xi32, #tpu.memory_space<vmem>> -> memref<128xi32, #tpu.memory_space<vmem>>
    %dma_start3A_166 = arith.constant 0 : i32
    %dma_start3A_167 = arith.constant 0 : i32
    %dma_start3A_168 = tpu.memref_slice %arg2[%dma_start3A_166, %dma_start3A_167] : memref<100000x16xf32, #tpu.memory_space<hbm>> -> memref<100000x16xf32, #tpu.memory_space<hbm>>
    tpu.enqueue_indirect_dma source(%dma_start3A_168 : memref<100000x16xf32, #tpu.memory_space<hbm>>) target(%dma_start3A_163 : memref<128x16xf32, #tpu.memory_space<vmem>>) offsets(%dma_start3A_165 : memref<128xi32, #tpu.memory_space<vmem>>) semaphore(%arg18 : memref<!tpu.dma_semaphore, #tpu.memory_space<semaphore_mem>>)
    %dma_start3A_169 = arith.constant 6400000 : i32
    %dma_start3A_170 = tpu.memref_slice %arg6[%dma_start3A_169] : memref<6401024xf32, #tpu.memory_space<hbm>> -> memref<1024xf32, #tpu.memory_space<hbm>>
    %dma_start3A_171 = arith.constant 6400000 : i32
    %dma_start3A_172 = tpu.memref_slice %arg6[%dma_start3A_171] : memref<6401024xf32, #tpu.memory_space<hbm>> -> memref<1024xf32, #tpu.memory_space<hbm>>
    tpu.enqueue_dma source(%arg13 : memref<1024xf32, #tpu.memory_space<vmem>>) target(%dma_start3A_172 : memref<1024xf32, #tpu.memory_space<hbm>>) target_semaphore(%arg20 : memref<!tpu.dma_semaphore, #tpu.memory_space<semaphore_mem>>)
    %dma_start3A_173 = arith.constant 6400000 : i32
    %dma_start3A_174 = tpu.memref_slice %arg6[%dma_start3A_173] : memref<6401024xf32, #tpu.memory_space<hbm>> -> memref<1024xf32, #tpu.memory_space<hbm>>
    %dma_start3A_175 = arith.constant 6400000 : i32
    %dma_start3A_176 = tpu.memref_slice %arg6[%dma_start3A_175] : memref<6401024xf32, #tpu.memory_space<hbm>> -> memref<1024xf32, #tpu.memory_space<hbm>>
    tpu.enqueue_dma source(%arg14 : memref<1024xf32, #tpu.memory_space<vmem>>) target(%dma_start3A_176 : memref<1024xf32, #tpu.memory_space<hbm>>) target_semaphore(%arg21 : memref<!tpu.dma_semaphore, #tpu.memory_space<semaphore_mem>>)
    %scan3A = arith.constant 0 : i32
    %scan3A_177 = arith.constant 0 : i32
    %scan3A_178 = arith.constant 98 : i32
    %scan3A_179 = arith.addi %scan3A_177, %scan3A_178 : i32
    %scan3A_180 = arith.constant 1 : i32
    %scan3A_181 = scf.for %scan3A_207 = %scan3A_177 to %scan3A_179 step %scan3A_180 iter_args(%scan3A_208 = %scan3A) -> (i32)  : i32 {
      %mul3A_209 = arith.constant 2 : i32
      %mul3A_210 = arith.muli %scan3A_207, %mul3A_209 : i32
      %add3A_211 = arith.constant 0 : i32
      %add3A_212 = arith.addi %mul3A_210, %add3A_211 : i32
      %dma_wait3A_213 = arith.constant 0 : i32
      %dma_wait3A_214 = arith.constant 0 : i32
      %dma_wait3A_215 = tpu.memref_slice %arg2[%dma_wait3A_213, %dma_wait3A_214] : memref<100000x16xf32, #tpu.memory_space<hbm>> -> memref<1024x16xf32, #tpu.memory_space<hbm>>
      %dma_wait3A_216 = arith.constant 0 : i32
      %dma_wait3A_217 = arith.constant 0 : i32
      %dma_wait3A_218 = tpu.memref_slice %arg2[%dma_wait3A_216, %dma_wait3A_217] : memref<100000x16xf32, #tpu.memory_space<hbm>> -> memref<1024x16xf32, #tpu.memory_space<hbm>>
      tpu.wait_dma2 semaphore(%arg18 : memref<!tpu.dma_semaphore, #tpu.memory_space<semaphore_mem>>) src(%dma_wait3A_218 : memref<1024x16xf32, #tpu.memory_space<hbm>>) dst(%arg9 : memref<1024x16xf32, #tpu.memory_space<vmem>>)
      %dma_wait3A_219 = arith.constant 0 : i32
      %dma_wait3A_220 = arith.constant 0 : i32
      %dma_wait3A_221 = tpu.memref_slice %arg2[%dma_wait3A_219, %dma_wait3A_220] : memref<100000x16xf32, #tpu.memory_space<hbm>> -> memref<1024x16xf32, #tpu.memory_space<hbm>>
      %dma_wait3A_222 = arith.constant 0 : i32
      %dma_wait3A_223 = arith.constant 0 : i32
      %dma_wait3A_224 = tpu.memref_slice %arg2[%dma_wait3A_222, %dma_wait3A_223] : memref<100000x16xf32, #tpu.memory_space<hbm>> -> memref<1024x16xf32, #tpu.memory_space<hbm>>
      tpu.wait_dma2 semaphore(%arg18 : memref<!tpu.dma_semaphore, #tpu.memory_space<semaphore_mem>>) src(%dma_wait3A_224 : memref<1024x16xf32, #tpu.memory_space<hbm>>) dst(%arg11 : memref<1024x16xf32, #tpu.memory_space<vmem>>)
      %add3A_225 = arith.constant 2 : i32
      %add3A_226 = arith.addi %add3A_212, %add3A_225 : i32
      %mul3A_227 = arith.constant 32 : i32
      %mul3A_228 = arith.muli %add3A_226, %mul3A_227 : i32
      %add3A_229 = arith.addi %add3A, %mul3A_228 : i32
      %lt3A_230 = arith.constant 6250 : i32
      %lt3A_231 = arith.cmpi slt, %add3A_229, %lt3A_230 : i32
      %jit3A_232 = arith.constant 0 : i32
      %select_n3A_233 = arith.select %lt3A_231, %add3A_229, %jit3A_232 : i32
      %mul3A_234 = arith.constant 1024 : i32
      %mul3A_235 = arith.muli %select_n3A_233, %mul3A_234 : i32
      %dma_start3A_236 = arith.constant 0 : i32
      %dma_start3A_237 = tpu.memref_slice %arg7[%dma_start3A_236] : memref<2048xi32, #tpu.memory_space<vmem>> -> memref<1024xi32, #tpu.memory_space<vmem>>
      %dma_start3A_238 = tpu.memref_slice %arg3[%mul3A_235] : memref<6400000xi32, #tpu.memory_space<hbm>> -> memref<1024xi32, #tpu.memory_space<hbm>>
      %dma_start3A_239 = arith.constant 0 : i32
      %dma_start3A_240 = tpu.memref_slice %arg7[%dma_start3A_239] : memref<2048xi32, #tpu.memory_space<vmem>> -> memref<1024xi32, #tpu.memory_space<vmem>>
      %dma_start3A_241 = tpu.memref_slice %arg3[%mul3A_235] : memref<6400000xi32, #tpu.memory_space<hbm>> -> memref<1024xi32, #tpu.memory_space<hbm>>
      tpu.enqueue_dma source(%dma_start3A_241 : memref<1024xi32, #tpu.memory_space<hbm>>) target(%dma_start3A_240 : memref<1024xi32, #tpu.memory_space<vmem>>) target_semaphore(%arg16 : memref<!tpu.dma_semaphore, #tpu.memory_space<semaphore_mem>>)
      %dma_start3A_242 = arith.constant 1024 : i32
      %dma_start3A_243 = tpu.memref_slice %arg7[%dma_start3A_242] : memref<2048xi32, #tpu.memory_space<vmem>> -> memref<1024xi32, #tpu.memory_space<vmem>>
      %dma_start3A_244 = tpu.memref_slice %arg4[%mul3A_235] : memref<6400000xi32, #tpu.memory_space<hbm>> -> memref<1024xi32, #tpu.memory_space<hbm>>
      %dma_start3A_245 = arith.constant 1024 : i32
      %dma_start3A_246 = tpu.memref_slice %arg7[%dma_start3A_245] : memref<2048xi32, #tpu.memory_space<vmem>> -> memref<1024xi32, #tpu.memory_space<vmem>>
      %dma_start3A_247 = tpu.memref_slice %arg4[%mul3A_235] : memref<6400000xi32, #tpu.memory_space<hbm>> -> memref<1024xi32, #tpu.memory_space<hbm>>
      tpu.enqueue_dma source(%dma_start3A_247 : memref<1024xi32, #tpu.memory_space<hbm>>) target(%dma_start3A_246 : memref<1024xi32, #tpu.memory_space<vmem>>) target_semaphore(%arg16 : memref<!tpu.dma_semaphore, #tpu.memory_space<semaphore_mem>>)
      %dma_wait3A_248 = arith.constant 0 : i32
      %dma_wait3A_249 = tpu.memref_slice %arg3[%dma_wait3A_248] : memref<6400000xi32, #tpu.memory_space<hbm>> -> memref<2048xi32, #tpu.memory_space<hbm>>
      %dma_wait3A_250 = arith.constant 0 : i32
      %dma_wait3A_251 = tpu.memref_slice %arg3[%dma_wait3A_250] : memref<6400000xi32, #tpu.memory_space<hbm>> -> memref<2048xi32, #tpu.memory_space<hbm>>
      tpu.wait_dma2 semaphore(%arg17 : memref<!tpu.dma_semaphore, #tpu.memory_space<semaphore_mem>>) src(%dma_wait3A_251 : memref<2048xi32, #tpu.memory_space<hbm>>) dst(%arg8 : memref<2048xi32, #tpu.memory_space<vmem>>)
      %dma_start3A_252 = arith.constant 0 : i32
      %dma_start3A_253 = arith.constant 0 : i32
      %dma_start3A_254 = tpu.memref_slice %arg10[%dma_start3A_252, %dma_start3A_253] : memref<1024x16xf32, #tpu.memory_space<vmem>> -> memref<128x16xf32, #tpu.memory_space<vmem>>
      %dma_start3A_255 = arith.constant 0 : i32
      %dma_start3A_256 = tpu.memref_slice %arg8[%dma_start3A_255] : memref<2048xi32, #tpu.memory_space<vmem>> -> memref<128xi32, #tpu.memory_space<vmem>>
      %dma_start3A_257 = arith.constant 0 : i32
      %dma_start3A_258 = arith.constant 0 : i32
      %dma_start3A_259 = tpu.memref_slice %arg2[%dma_start3A_257, %dma_start3A_258] : memref<100000x16xf32, #tpu.memory_space<hbm>> -> memref<100000x16xf32, #tpu.memory_space<hbm>>
      tpu.enqueue_indirect_dma source(%dma_start3A_259 : memref<100000x16xf32, #tpu.memory_space<hbm>>) target(%dma_start3A_254 : memref<128x16xf32, #tpu.memory_space<vmem>>) offsets(%dma_start3A_256 : memref<128xi32, #tpu.memory_space<vmem>>) semaphore(%arg19 : memref<!tpu.dma_semaphore, #tpu.memory_space<semaphore_mem>>)
      %dma_start3A_260 = arith.constant 0 : i32
      %dma_start3A_261 = arith.constant 0 : i32
      %dma_start3A_262 = tpu.memref_slice %arg12[%dma_start3A_260, %dma_start3A_261] : memref<1024x16xf32, #tpu.memory_space<vmem>> -> memref<128x16xf32, #tpu.memory_space<vmem>>
      %dma_start3A_263 = arith.constant 1024 : i32
      %dma_start3A_264 = tpu.memref_slice %arg8[%dma_start3A_263] : memref<2048xi32, #tpu.memory_space<vmem>> -> memref<128xi32, #tpu.memory_space<vmem>>
      %dma_start3A_265 = arith.constant 0 : i32
      %dma_start3A_266 = arith.constant 0 : i32
      %dma_start3A_267 = tpu.memref_slice %arg2[%dma_start3A_265, %dma_start3A_266] : memref<100000x16xf32, #tpu.memory_space<hbm>> -> memref<100000x16xf32, #tpu.memory_space<hbm>>
      tpu.enqueue_indirect_dma source(%dma_start3A_267 : memref<100000x16xf32, #tpu.memory_space<hbm>>) target(%dma_start3A_262 : memref<128x16xf32, #tpu.memory_space<vmem>>) offsets(%dma_start3A_264 : memref<128xi32, #tpu.memory_space<vmem>>) semaphore(%arg19 : memref<!tpu.dma_semaphore, #tpu.memory_space<semaphore_mem>>)
      %dma_start3A_268 = arith.constant 128 : i32
      %dma_start3A_269 = arith.constant 0 : i32
      %dma_start3A_270 = tpu.memref_slice %arg10[%dma_start3A_268, %dma_start3A_269] : memref<1024x16xf32, #tpu.memory_space<vmem>> -> memref<128x16xf32, #tpu.memory_space<vmem>>
      %dma_start3A_271 = arith.constant 128 : i32
      %dma_start3A_272 = tpu.memref_slice %arg8[%dma_start3A_271] : memref<2048xi32, #tpu.memory_space<vmem>> -> memref<128xi32, #tpu.memory_space<vmem>>
      %dma_start3A_273 = arith.constant 0 : i32
      %dma_start3A_274 = arith.constant 0 : i32
      %dma_start3A_275 = tpu.memref_slice %arg2[%dma_start3A_273, %dma_start3A_274] : memref<100000x16xf32, #tpu.memory_space<hbm>> -> memref<100000x16xf32, #tpu.memory_space<hbm>>
      tpu.enqueue_indirect_dma source(%dma_start3A_275 : memref<100000x16xf32, #tpu.memory_space<hbm>>) target(%dma_start3A_270 : memref<128x16xf32, #tpu.memory_space<vmem>>) offsets(%dma_start3A_272 : memref<128xi32, #tpu.memory_space<vmem>>) semaphore(%arg19 : memref<!tpu.dma_semaphore, #tpu.memory_space<semaphore_mem>>)
      %dma_start3A_276 = arith.constant 128 : i32
      %dma_start3A_277 = arith.constant 0 : i32
      %dma_start3A_278 = tpu.memref_slice %arg12[%dma_start3A_276, %dma_start3A_277] : memref<1024x16xf32, #tpu.memory_space<vmem>> -> memref<128x16xf32, #tpu.memory_space<vmem>>
      %dma_start3A_279 = arith.constant 1152 : i32
      %dma_start3A_280 = tpu.memref_slice %arg8[%dma_start3A_279] : memref<2048xi32, #tpu.memory_space<vmem>> -> memref<128xi32, #tpu.memory_space<vmem>>
      %dma_start3A_281 = arith.constant 0 : i32
      %dma_start3A_282 = arith.constant 0 : i32
      %dma_start3A_283 = tpu.memref_slice %arg2[%dma_start3A_281, %dma_start3A_282] : memref<100000x16xf32, #tpu.memory_space<hbm>> -> memref<100000x16xf32, #tpu.memory_space<hbm>>
      tpu.enqueue_indirect_dma source(%dma_start3A_283 : memref<100000x16xf32, #tpu.memory_space<hbm>>) target(%dma_start3A_278 : memref<128x16xf32, #tpu.memory_space<vmem>>) offsets(%dma_start3A_280 : memref<128xi32, #tpu.memory_space<vmem>>) semaphore(%arg19 : memref<!tpu.dma_semaphore, #tpu.memory_space<semaphore_mem>>)
      %dma_start3A_284 = arith.constant 256 : i32
      %dma_start3A_285 = arith.constant 0 : i32
      %dma_start3A_286 = tpu.memref_slice %arg10[%dma_start3A_284, %dma_start3A_285] : memref<1024x16xf32, #tpu.memory_space<vmem>> -> memref<128x16xf32, #tpu.memory_space<vmem>>
      %dma_start3A_287 = arith.constant 256 : i32
      %dma_start3A_288 = tpu.memref_slice %arg8[%dma_start3A_287] : memref<2048xi32, #tpu.memory_space<vmem>> -> memref<128xi32, #tpu.memory_space<vmem>>
      %dma_start3A_289 = arith.constant 0 : i32
      %dma_start3A_290 = arith.constant 0 : i32
      %dma_start3A_291 = tpu.memref_slice %arg2[%dma_start3A_289, %dma_start3A_290] : memref<100000x16xf32, #tpu.memory_space<hbm>> -> memref<100000x16xf32, #tpu.memory_space<hbm>>
      tpu.enqueue_indirect_dma source(%dma_start3A_291 : memref<100000x16xf32, #tpu.memory_space<hbm>>) target(%dma_start3A_286 : memref<128x16xf32, #tpu.memory_space<vmem>>) offsets(%dma_start3A_288 : memref<128xi32, #tpu.memory_space<vmem>>) semaphore(%arg19 : memref<!tpu.dma_semaphore, #tpu.memory_space<semaphore_mem>>)
      %dma_start3A_292 = arith.constant 256 : i32
      %dma_start3A_293 = arith.constant 0 : i32
      %dma_start3A_294 = tpu.memref_slice %arg12[%dma_start3A_292, %dma_start3A_293] : memref<1024x16xf32, #tpu.memory_space<vmem>> -> memref<128x16xf32, #tpu.memory_space<vmem>>
      %dma_start3A_295 = arith.constant 1280 : i32
      %dma_start3A_296 = tpu.memref_slice %arg8[%dma_start3A_295] : memref<2048xi32, #tpu.memory_space<vmem>> -> memref<128xi32, #tpu.memory_space<vmem>>
      %dma_start3A_297 = arith.constant 0 : i32
      %dma_start3A_298 = arith.constant 0 : i32
      %dma_start3A_299 = tpu.memref_slice %arg2[%dma_start3A_297, %dma_start3A_298] : memref<100000x16xf32, #tpu.memory_space<hbm>> -> memref<100000x16xf32, #tpu.memory_space<hbm>>
      tpu.enqueue_indirect_dma source(%dma_start3A_299 : memref<100000x16xf32, #tpu.memory_space<hbm>>) target(%dma_start3A_294 : memref<128x16xf32, #tpu.memory_space<vmem>>) offsets(%dma_start3A_296 : memref<128xi32, #tpu.memory_space<vmem>>) semaphore(%arg19 : memref<!tpu.dma_semaphore, #tpu.memory_space<semaphore_mem>>)
      %dma_start3A_300 = arith.constant 384 : i32
      %dma_start3A_301 = arith.constant 0 : i32
      %dma_start3A_302 = tpu.memref_slice %arg10[%dma_start3A_300, %dma_start3A_301] : memref<1024x16xf32, #tpu.memory_space<vmem>> -> memref<128x16xf32, #tpu.memory_space<vmem>>
      %dma_start3A_303 = arith.constant 384 : i32
      %dma_start3A_304 = tpu.memref_slice %arg8[%dma_start3A_303] : memref<2048xi32, #tpu.memory_space<vmem>> -> memref<128xi32, #tpu.memory_space<vmem>>
      %dma_start3A_305 = arith.constant 0 : i32
      %dma_start3A_306 = arith.constant 0 : i32
      %dma_start3A_307 = tpu.memref_slice %arg2[%dma_start3A_305, %dma_start3A_306] : memref<100000x16xf32, #tpu.memory_space<hbm>> -> memref<100000x16xf32, #tpu.memory_space<hbm>>
      tpu.enqueue_indirect_dma source(%dma_start3A_307 : memref<100000x16xf32, #tpu.memory_space<hbm>>) target(%dma_start3A_302 : memref<128x16xf32, #tpu.memory_space<vmem>>) offsets(%dma_start3A_304 : memref<128xi32, #tpu.memory_space<vmem>>) semaphore(%arg19 : memref<!tpu.dma_semaphore, #tpu.memory_space<semaphore_mem>>)
      %dma_start3A_308 = arith.constant 384 : i32
      %dma_start3A_309 = arith.constant 0 : i32
      %dma_start3A_310 = tpu.memref_slice %arg12[%dma_start3A_308, %dma_start3A_309] : memref<1024x16xf32, #tpu.memory_space<vmem>> -> memref<128x16xf32, #tpu.memory_space<vmem>>
      %dma_start3A_311 = arith.constant 1408 : i32
      %dma_start3A_312 = tpu.memref_slice %arg8[%dma_start3A_311] : memref<2048xi32, #tpu.memory_space<vmem>> -> memref<128xi32, #tpu.memory_space<vmem>>
      %dma_start3A_313 = arith.constant 0 : i32
      %dma_start3A_314 = arith.constant 0 : i32
      %dma_start3A_315 = tpu.memref_slice %arg2[%dma_start3A_313, %dma_start3A_314] : memref<100000x16xf32, #tpu.memory_space<hbm>> -> memref<100000x16xf32, #tpu.memory_space<hbm>>
      tpu.enqueue_indirect_dma source(%dma_start3A_315 : memref<100000x16xf32, #tpu.memory_space<hbm>>) target(%dma_start3A_310 : memref<128x16xf32, #tpu.memory_space<vmem>>) offsets(%dma_start3A_312 : memref<128xi32, #tpu.memory_space<vmem>>) semaphore(%arg19 : memref<!tpu.dma_semaphore, #tpu.memory_space<semaphore_mem>>)
      %dma_start3A_316 = arith.constant 512 : i32
      %dma_start3A_317 = arith.constant 0 : i32
      %dma_start3A_318 = tpu.memref_slice %arg10[%dma_start3A_316, %dma_start3A_317] : memref<1024x16xf32, #tpu.memory_space<vmem>> -> memref<128x16xf32, #tpu.memory_space<vmem>>
      %dma_start3A_319 = arith.constant 512 : i32
      %dma_start3A_320 = tpu.memref_slice %arg8[%dma_start3A_319] : memref<2048xi32, #tpu.memory_space<vmem>> -> memref<128xi32, #tpu.memory_space<vmem>>
      %dma_start3A_321 = arith.constant 0 : i32
      %dma_start3A_322 = arith.constant 0 : i32
      %dma_start3A_323 = tpu.memref_slice %arg2[%dma_start3A_321, %dma_start3A_322] : memref<100000x16xf32, #tpu.memory_space<hbm>> -> memref<100000x16xf32, #tpu.memory_space<hbm>>
      tpu.enqueue_indirect_dma source(%dma_start3A_323 : memref<100000x16xf32, #tpu.memory_space<hbm>>) target(%dma_start3A_318 : memref<128x16xf32, #tpu.memory_space<vmem>>) offsets(%dma_start3A_320 : memref<128xi32, #tpu.memory_space<vmem>>) semaphore(%arg19 : memref<!tpu.dma_semaphore, #tpu.memory_space<semaphore_mem>>)
      %dma_start3A_324 = arith.constant 512 : i32
      %dma_start3A_325 = arith.constant 0 : i32
      %dma_start3A_326 = tpu.memref_slice %arg12[%dma_start3A_324, %dma_start3A_325] : memref<1024x16xf32, #tpu.memory_space<vmem>> -> memref<128x16xf32, #tpu.memory_space<vmem>>
      %dma_start3A_327 = arith.constant 1536 : i32
      %dma_start3A_328 = tpu.memref_slice %arg8[%dma_start3A_327] : memref<2048xi32, #tpu.memory_space<vmem>> -> memref<128xi32, #tpu.memory_space<vmem>>
      %dma_start3A_329 = arith.constant 0 : i32
      %dma_start3A_330 = arith.constant 0 : i32
      %dma_start3A_331 = tpu.memref_slice %arg2[%dma_start3A_329, %dma_start3A_330] : memref<100000x16xf32, #tpu.memory_space<hbm>> -> memref<100000x16xf32, #tpu.memory_space<hbm>>
      tpu.enqueue_indirect_dma source(%dma_start3A_331 : memref<100000x16xf32, #tpu.memory_space<hbm>>) target(%dma_start3A_326 : memref<128x16xf32, #tpu.memory_space<vmem>>) offsets(%dma_start3A_328 : memref<128xi32, #tpu.memory_space<vmem>>) semaphore(%arg19 : memref<!tpu.dma_semaphore, #tpu.memory_space<semaphore_mem>>)
      %dma_start3A_332 = arith.constant 640 : i32
      %dma_start3A_333 = arith.constant 0 : i32
      %dma_start3A_334 = tpu.memref_slice %arg10[%dma_start3A_332, %dma_start3A_333] : memref<1024x16xf32, #tpu.memory_space<vmem>> -> memref<128x16xf32, #tpu.memory_space<vmem>>
      %dma_start3A_335 = arith.constant 640 : i32
      %dma_start3A_336 = tpu.memref_slice %arg8[%dma_start3A_335] : memref<2048xi32, #tpu.memory_space<vmem>> -> memref<128xi32, #tpu.memory_space<vmem>>
      %dma_start3A_337 = arith.constant 0 : i32
      %dma_start3A_338 = arith.constant 0 : i32
      %dma_start3A_339 = tpu.memref_slice %arg2[%dma_start3A_337, %dma_start3A_338] : memref<100000x16xf32, #tpu.memory_space<hbm>> -> memref<100000x16xf32, #tpu.memory_space<hbm>>
      tpu.enqueue_indirect_dma source(%dma_start3A_339 : memref<100000x16xf32, #tpu.memory_space<hbm>>) target(%dma_start3A_334 : memref<128x16xf32, #tpu.memory_space<vmem>>) offsets(%dma_start3A_336 : memref<128xi32, #tpu.memory_space<vmem>>) semaphore(%arg19 : memref<!tpu.dma_semaphore, #tpu.memory_space<semaphore_mem>>)
      %dma_start3A_340 = arith.constant 640 : i32
      %dma_start3A_341 = arith.constant 0 : i32
      %dma_start3A_342 = tpu.memref_slice %arg12[%dma_start3A_340, %dma_start3A_341] : memref<1024x16xf32, #tpu.memory_space<vmem>> -> memref<128x16xf32, #tpu.memory_space<vmem>>
      %dma_start3A_343 = arith.constant 1664 : i32
      %dma_start3A_344 = tpu.memref_slice %arg8[%dma_start3A_343] : memref<2048xi32, #tpu.memory_space<vmem>> -> memref<128xi32, #tpu.memory_space<vmem>>
      %dma_start3A_345 = arith.constant 0 : i32
      %dma_start3A_346 = arith.constant 0 : i32
      %dma_start3A_347 = tpu.memref_slice %arg2[%dma_start3A_345, %dma_start3A_346] : memref<100000x16xf32, #tpu.memory_space<hbm>> -> memref<100000x16xf32, #tpu.memory_space<hbm>>
      tpu.enqueue_indirect_dma source(%dma_start3A_347 : memref<100000x16xf32, #tpu.memory_space<hbm>>) target(%dma_start3A_342 : memref<128x16xf32, #tpu.memory_space<vmem>>) offsets(%dma_start3A_344 : memref<128xi32, #tpu.memory_space<vmem>>) semaphore(%arg19 : memref<!tpu.dma_semaphore, #tpu.memory_space<semaphore_mem>>)
      %dma_start3A_348 = arith.constant 768 : i32
      %dma_start3A_349 = arith.constant 0 : i32
      %dma_start3A_350 = tpu.memref_slice %arg10[%dma_start3A_348, %dma_start3A_349] : memref<1024x16xf32, #tpu.memory_space<vmem>> -> memref<128x16xf32, #tpu.memory_space<vmem>>
      %dma_start3A_351 = arith.constant 768 : i32
      %dma_start3A_352 = tpu.memref_slice %arg8[%dma_start3A_351] : memref<2048xi32, #tpu.memory_space<vmem>> -> memref<128xi32, #tpu.memory_space<vmem>>
      %dma_start3A_353 = arith.constant 0 : i32
      %dma_start3A_354 = arith.constant 0 : i32
      %dma_start3A_355 = tpu.memref_slice %arg2[%dma_start3A_353, %dma_start3A_354] : memref<100000x16xf32, #tpu.memory_space<hbm>> -> memref<100000x16xf32, #tpu.memory_space<hbm>>
      tpu.enqueue_indirect_dma source(%dma_start3A_355 : memref<100000x16xf32, #tpu.memory_space<hbm>>) target(%dma_start3A_350 : memref<128x16xf32, #tpu.memory_space<vmem>>) offsets(%dma_start3A_352 : memref<128xi32, #tpu.memory_space<vmem>>) semaphore(%arg19 : memref<!tpu.dma_semaphore, #tpu.memory_space<semaphore_mem>>)
      %dma_start3A_356 = arith.constant 768 : i32
      %dma_start3A_357 = arith.constant 0 : i32
      %dma_start3A_358 = tpu.memref_slice %arg12[%dma_start3A_356, %dma_start3A_357] : memref<1024x16xf32, #tpu.memory_space<vmem>> -> memref<128x16xf32, #tpu.memory_space<vmem>>
      %dma_start3A_359 = arith.constant 1792 : i32
      %dma_start3A_360 = tpu.memref_slice %arg8[%dma_start3A_359] : memref<2048xi32, #tpu.memory_space<vmem>> -> memref<128xi32, #tpu.memory_space<vmem>>
      %dma_start3A_361 = arith.constant 0 : i32
      %dma_start3A_362 = arith.constant 0 : i32
      %dma_start3A_363 = tpu.memref_slice %arg2[%dma_start3A_361, %dma_start3A_362] : memref<100000x16xf32, #tpu.memory_space<hbm>> -> memref<100000x16xf32, #tpu.memory_space<hbm>>
      tpu.enqueue_indirect_dma source(%dma_start3A_363 : memref<100000x16xf32, #tpu.memory_space<hbm>>) target(%dma_start3A_358 : memref<128x16xf32, #tpu.memory_space<vmem>>) offsets(%dma_start3A_360 : memref<128xi32, #tpu.memory_space<vmem>>) semaphore(%arg19 : memref<!tpu.dma_semaphore, #tpu.memory_space<semaphore_mem>>)
      %dma_start3A_364 = arith.constant 896 : i32
      %dma_start3A_365 = arith.constant 0 : i32
      %dma_start3A_366 = tpu.memref_slice %arg10[%dma_start3A_364, %dma_start3A_365] : memref<1024x16xf32, #tpu.memory_space<vmem>> -> memref<128x16xf32, #tpu.memory_space<vmem>>
      %dma_start3A_367 = arith.constant 896 : i32
      %dma_start3A_368 = tpu.memref_slice %arg8[%dma_start3A_367] : memref<2048xi32, #tpu.memory_space<vmem>> -> memref<128xi32, #tpu.memory_space<vmem>>
      %dma_start3A_369 = arith.constant 0 : i32
      %dma_start3A_370 = arith.constant 0 : i32
      %dma_start3A_371 = tpu.memref_slice %arg2[%dma_start3A_369, %dma_start3A_370] : memref<100000x16xf32, #tpu.memory_space<hbm>> -> memref<100000x16xf32, #tpu.memory_space<hbm>>
      tpu.enqueue_indirect_dma source(%dma_start3A_371 : memref<100000x16xf32, #tpu.memory_space<hbm>>) target(%dma_start3A_366 : memref<128x16xf32, #tpu.memory_space<vmem>>) offsets(%dma_start3A_368 : memref<128xi32, #tpu.memory_space<vmem>>) semaphore(%arg19 : memref<!tpu.dma_semaphore, #tpu.memory_space<semaphore_mem>>)
      %dma_start3A_372 = arith.constant 896 : i32
      %dma_start3A_373 = arith.constant 0 : i32
      %dma_start3A_374 = tpu.memref_slice %arg12[%dma_start3A_372, %dma_start3A_373] : memref<1024x16xf32, #tpu.memory_space<vmem>> -> memref<128x16xf32, #tpu.memory_space<vmem>>
      %dma_start3A_375 = arith.constant 1920 : i32
      %dma_start3A_376 = tpu.memref_slice %arg8[%dma_start3A_375] : memref<2048xi32, #tpu.memory_space<vmem>> -> memref<128xi32, #tpu.memory_space<vmem>>
      %dma_start3A_377 = arith.constant 0 : i32
      %dma_start3A_378 = arith.constant 0 : i32
      %dma_start3A_379 = tpu.memref_slice %arg2[%dma_start3A_377, %dma_start3A_378] : memref<100000x16xf32, #tpu.memory_space<hbm>> -> memref<100000x16xf32, #tpu.memory_space<hbm>>
      tpu.enqueue_indirect_dma source(%dma_start3A_379 : memref<100000x16xf32, #tpu.memory_space<hbm>>) target(%dma_start3A_374 : memref<128x16xf32, #tpu.memory_space<vmem>>) offsets(%dma_start3A_376 : memref<128xi32, #tpu.memory_space<vmem>>) semaphore(%arg19 : memref<!tpu.dma_semaphore, #tpu.memory_space<semaphore_mem>>)
      %dma_wait3A_380 = arith.constant 0 : i32
      %dma_wait3A_381 = tpu.memref_slice %arg6[%dma_wait3A_380] : memref<6401024xf32, #tpu.memory_space<hbm>> -> memref<1024xf32, #tpu.memory_space<hbm>>
      %dma_wait3A_382 = arith.constant 0 : i32
      %dma_wait3A_383 = tpu.memref_slice %arg6[%dma_wait3A_382] : memref<6401024xf32, #tpu.memory_space<hbm>> -> memref<1024xf32, #tpu.memory_space<hbm>>
      tpu.wait_dma2 semaphore(%arg20 : memref<!tpu.dma_semaphore, #tpu.memory_space<semaphore_mem>>) src(%dma_wait3A_383 : memref<1024xf32, #tpu.memory_space<hbm>>) dst(%arg13 : memref<1024xf32, #tpu.memory_space<vmem>>)
      %scan3A_384 = arith.constant 0 : i32
      %scan3A_385 = arith.constant 0 : i32
      %scan3A_386 = arith.constant 64 : i32
      %scan3A_387 = arith.addi %scan3A_385, %scan3A_386 : i32
      %scan3A_388 = arith.constant 1 : i32
      %scan3A_389 = scf.for %scan3A_594 = %scan3A_385 to %scan3A_387 step %scan3A_388 iter_args(%scan3A_595 = %scan3A_384) -> (i32)  : i32 {
        %mul3A_596 = arith.constant 16 : i32
        %mul3A_597 = arith.muli %scan3A_594, %mul3A_596 : i32
        %add3A_598 = vector.broadcast %mul3A_597 : i32 to vector<16xi32>
        %add3A_599 = arith.addi %add3A_598, %iota3A : vector<16xi32>
        %gather3A = tpu.vector_load_idx %arg9[%add3A_599, %broadcast_in_dim3A_1] : memref<1024x16xf32, #tpu.memory_space<vmem>>[vector<16xi32>, vector<16xi32>], vector<16xf32>,
        %add3A_600 = arith.constant 1 : i32
        %add3A_601 = vector.broadcast %add3A_600 : i32 to vector<16xi32>
        %add3A_602 = arith.addi %broadcast_in_dim3A_1, %add3A_601 : vector<16xi32>
        %gather3A_603 = tpu.vector_load_idx %arg9[%add3A_599, %add3A_602] : memref<1024x16xf32, #tpu.memory_space<vmem>>[vector<16xi32>, vector<16xi32>], vector<16xf32>,
        %add3A_604 = arith.constant 2 : i32
        %add3A_605 = vector.broadcast %add3A_604 : i32 to vector<16xi32>
        %add3A_606 = arith.addi %broadcast_in_dim3A_1, %add3A_605 : vector<16xi32>
        %gather3A_607 = tpu.vector_load_idx %arg9[%add3A_599, %add3A_606] : memref<1024x16xf32, #tpu.memory_space<vmem>>[vector<16xi32>, vector<16xi32>], vector<16xf32>,
        %add3A_608 = arith.constant 3 : i32
        %add3A_609 = vector.broadcast %add3A_608 : i32 to vector<16xi32>
        %add3A_610 = arith.addi %broadcast_in_dim3A_1, %add3A_609 : vector<16xi32>
        %gather3A_611 = tpu.vector_load_idx %arg9[%add3A_599, %add3A_610] : memref<1024x16xf32, #tpu.memory_space<vmem>>[vector<16xi32>, vector<16xi32>], vector<16xf32>,
        %gather3A_612 = tpu.vector_load_idx %arg11[%add3A_599, %broadcast_in_dim3A_1] : memref<1024x16xf32, #tpu.memory_space<vmem>>[vector<16xi32>, vector<16xi32>], vector<16xf32>,
        %add3A_613 = arith.constant 1 : i32
        %add3A_614 = vector.broadcast %add3A_613 : i32 to vector<16xi32>
        %add3A_615 = arith.addi %broadcast_in_dim3A_1, %add3A_614 : vector<16xi32>
        %gather3A_616 = tpu.vector_load_idx %arg11[%add3A_599, %add3A_615] : memref<1024x16xf32, #tpu.memory_space<vmem>>[vector<16xi32>, vector<16xi32>], vector<16xf32>,
        %add3A_617 = arith.constant 2 : i32
        %add3A_618 = vector.broadcast %add3A_617 : i32 to vector<16xi32>
        %add3A_619 = arith.addi %broadcast_in_dim3A_1, %add3A_618 : vector<16xi32>
        %gather3A_620 = tpu.vector_load_idx %arg11[%add3A_599, %add3A_619] : memref<1024x16xf32, #tpu.memory_space<vmem>>[vector<16xi32>, vector<16xi32>], vector<16xf32>,
        %add3A_621 = arith.constant 3 : i32
        %add3A_622 = vector.broadcast %add3A_621 : i32 to vector<16xi32>
        %add3A_623 = arith.addi %broadcast_in_dim3A_1, %add3A_622 : vector<16xi32>
        %gather3A_624 = tpu.vector_load_idx %arg11[%add3A_599, %add3A_623] : memref<1024x16xf32, #tpu.memory_space<vmem>>[vector<16xi32>, vector<16xi32>], vector<16xf32>,
        %sub3A = arith.subf %gather3A, %gather3A_612 : vector<16xf32>
        %sub3A_625 = arith.subf %gather3A_603, %gather3A_616 : vector<16xf32>
        %sub3A_626 = arith.subf %gather3A_607, %gather3A_620 : vector<16xf32>
        %mul3A_627 = arith.mulf %sub3A, %sub3A : vector<16xf32>
        %mul3A_628 = arith.mulf %sub3A_625, %sub3A_625 : vector<16xf32>
        %add3A_629 = arith.addf %mul3A_627, %mul3A_628 : vector<16xf32>
        %mul3A_630 = arith.mulf %sub3A_626, %sub3A_626 : vector<16xf32>
        %add3A_631 = arith.addf %add3A_629, %mul3A_630 : vector<16xf32>
        %convert_element_type3A = arith.fptosi %gather3A_611 : vector<16xf32> to vector<16xi32>
        %mul3A_632 = arith.constant 4 : i32
        %mul3A_633 = vector.broadcast %mul3A_632 : i32 to vector<16xi32>
        %mul3A_634 = arith.muli %convert_element_type3A, %mul3A_633 : vector<16xi32>
        %convert_element_type3A_635 = arith.fptosi %gather3A_624 : vector<16xf32> to vector<16xi32>
        %add3A_636 = arith.addi %mul3A_634, %convert_element_type3A_635 : vector<16xi32>
        %gather3A_637 = tpu.vector_load_idx %arg15[%add3A_636] : memref<16xf32, #tpu.memory_space<vmem>>[vector<16xi32>], vector<16xf32>,
        %mul3A_638 = arith.mulf %gather3A_637, %gather3A_637 : vector<16xf32>
        %div3A = arith.divf %mul3A_638, %add3A_631 : vector<16xf32>
        %mul3A_639 = arith.mulf %div3A, %div3A : vector<16xf32>
        %mul3A_640 = arith.mulf %mul3A_639, %div3A : vector<16xf32>
        %mul3A_641 = arith.constant 16 : i32
        %mul3A_642 = arith.muli %scan3A_594, %mul3A_641 : i32
        %swap3A = arith.index_cast %mul3A_642 : i32 to index
        %swap3A_643 = tpu.vector_load %arg13[%swap3A] {strides = array<i32>} : memref<1024xf32, #tpu.memory_space<vmem>>, vector<16xf32>,
        tpu.vector_store %arg13[%swap3A], %mul3A_640 {strides = array<i32>} : memref<1024xf32, #tpu.memory_space<vmem>>, vector<16xf32>,
        %scan3A_644 = arith.constant 0 : i32
        scf.yield %scan3A_644 : i32
      }
      %scan3A_390 = arith.constant 64 : i32
      %mul3A_391 = arith.constant 32 : i32
      %mul3A_392 = arith.muli %add3A_212, %mul3A_391 : i32
      %add3A_393 = arith.addi %add3A, %mul3A_392 : i32
      %lt3A_394 = arith.constant 6250 : i32
      %lt3A_395 = arith.cmpi slt, %add3A_393, %lt3A_394 : i32
      %jit3A_396 = arith.constant 6250 : i32
      %select_n3A_397 = arith.select %lt3A_395, %add3A_393, %jit3A_396 : i32
      %mul3A_398 = arith.constant 1024 : i32
      %mul3A_399 = arith.muli %select_n3A_397, %mul3A_398 : i32
      %dma_start3A_400 = tpu.memref_slice %arg6[%mul3A_399] : memref<6401024xf32, #tpu.memory_space<hbm>> -> memref<1024xf32, #tpu.memory_space<hbm>>
      %dma_start3A_401 = tpu.memref_slice %arg6[%mul3A_399] : memref<6401024xf32, #tpu.memory_space<hbm>> -> memref<1024xf32, #tpu.memory_space<hbm>>
      tpu.enqueue_dma source(%arg13 : memref<1024xf32, #tpu.memory_space<vmem>>) target(%dma_start3A_401 : memref<1024xf32, #tpu.memory_space<hbm>>) target_semaphore(%arg20 : memref<!tpu.dma_semaphore, #tpu.memory_space<semaphore_mem>>)
      %add3A_402 = arith.constant 1 : i32
      %add3A_403 = arith.addi %mul3A_210, %add3A_402 : i32
      %dma_wait3A_404 = arith.constant 0 : i32
      %dma_wait3A_405 = arith.constant 0 : i32
      %dma_wait3A_406 = tpu.memref_slice %arg2[%dma_wait3A_404, %dma_wait3A_405] : memref<100000x16xf32, #tpu.memory_space<hbm>> -> memref<1024x16xf32, #tpu.memory_space<hbm>>
      %dma_wait3A_407 = arith.constant 0 : i32
      %dma_wait3A_408 = arith.constant 0 : i32
      %dma_wait3A_409 = tpu.memref_slice %arg2[%dma_wait3A_407, %dma_wait3A_408] : memref<100000x16xf32, #tpu.memory_space<hbm>> -> memref<1024x16xf32, #tpu.memory_space<hbm>>
      tpu.wait_dma2 semaphore(%arg19 : memref<!tpu.dma_semaphore, #tpu.memory_space<semaphore_mem>>) src(%dma_wait3A_409 : memref<1024x16xf32, #tpu.memory_space<hbm>>) dst(%arg10 : memref<1024x16xf32, #tpu.memory_space<vmem>>)
      %dma_wait3A_410 = arith.constant 0 : i32
      %dma_wait3A_411 = arith.constant 0 : i32
      %dma_wait3A_412 = tpu.memref_slice %arg2[%dma_wait3A_410, %dma_wait3A_411] : memref<100000x16xf32, #tpu.memory_space<hbm>> -> memref<1024x16xf32, #tpu.memory_space<hbm>>
      %dma_wait3A_413 = arith.constant 0 : i32
      %dma_wait3A_414 = arith.constant 0 : i32
      %dma_wait3A_415 = tpu.memref_slice %arg2[%dma_wait3A_413, %dma_wait3A_414] : memref<100000x16xf32, #tpu.memory_space<hbm>> -> memref<1024x16xf32, #tpu.memory_space<hbm>>
      tpu.wait_dma2 semaphore(%arg19 : memref<!tpu.dma_semaphore, #tpu.memory_space<semaphore_mem>>) src(%dma_wait3A_415 : memref<1024x16xf32, #tpu.memory_space<hbm>>) dst(%arg12 : memref<1024x16xf32, #tpu.memory_space<vmem>>)
      %add3A_416 = arith.constant 2 : i32
      %add3A_417 = arith.addi %add3A_403, %add3A_416 : i32
      %mul3A_418 = arith.constant 32 : i32
      %mul3A_419 = arith.muli %add3A_417, %mul3A_418 : i32
      %add3A_420 = arith.addi %add3A, %mul3A_419 : i32
      %lt3A_421 = arith.constant 6250 : i32
      %lt3A_422 = arith.cmpi slt, %add3A_420, %lt3A_421 : i32
      %jit3A_423 = arith.constant 0 : i32
      %select_n3A_424 = arith.select %lt3A_422, %add3A_420, %jit3A_423 : i32
      %mul3A_425 = arith.constant 1024 : i32
      %mul3A_426 = arith.muli %select_n3A_424, %mul3A_425 : i32
      %dma_start3A_427 = arith.constant 0 : i32
      %dma_start3A_428 = tpu.memref_slice %arg8[%dma_start3A_427] : memref<2048xi32, #tpu.memory_space<vmem>> -> memref<1024xi32, #tpu.memory_space<vmem>>
      %dma_start3A_429 = tpu.memref_slice %arg3[%mul3A_426] : memref<6400000xi32, #tpu.memory_space<hbm>> -> memref<1024xi32, #tpu.memory_space<hbm>>
      %dma_start3A_430 = arith.constant 0 : i32
      %dma_start3A_431 = tpu.memref_slice %arg8[%dma_start3A_430] : memref<2048xi32, #tpu.memory_space<vmem>> -> memref<1024xi32, #tpu.memory_space<vmem>>
      %dma_start3A_432 = tpu.memref_slice %arg3[%mul3A_426] : memref<6400000xi32, #tpu.memory_space<hbm>> -> memref<1024xi32, #tpu.memory_space<hbm>>
      tpu.enqueue_dma source(%dma_start3A_432 : memref<1024xi32, #tpu.memory_space<hbm>>) target(%dma_start3A_431 : memref<1024xi32, #tpu.memory_space<vmem>>) target_semaphore(%arg17 : memref<!tpu.dma_semaphore, #tpu.memory_space<semaphore_mem>>)
      %dma_start3A_433 = arith.constant 1024 : i32
      %dma_start3A_434 = tpu.memref_slice %arg8[%dma_start3A_433] : memref<2048xi32, #tpu.memory_space<vmem>> -> memref<1024xi32, #tpu.memory_space<vmem>>
      %dma_start3A_435 = tpu.memref_slice %arg4[%mul3A_426] : memref<6400000xi32, #tpu.memory_space<hbm>> -> memref<1024xi32, #tpu.memory_space<hbm>>
      %dma_start3A_436 = arith.constant 1024 : i32
      %dma_start3A_437 = tpu.memref_slice %arg8[%dma_start3A_436] : memref<2048xi32, #tpu.memory_space<vmem>> -> memref<1024xi32, #tpu.memory_space<vmem>>
      %dma_start3A_438 = tpu.memref_slice %arg4[%mul3A_426] : memref<6400000xi32, #tpu.memory_space<hbm>> -> memref<1024xi32, #tpu.memory_space<hbm>>
      tpu.enqueue_dma source(%dma_start3A_438 : memref<1024xi32, #tpu.memory_space<hbm>>) target(%dma_start3A_437 : memref<1024xi32, #tpu.memory_space<vmem>>) target_semaphore(%arg17 : memref<!tpu.dma_semaphore, #tpu.memory_space<semaphore_mem>>)
      %dma_wait3A_439 = arith.constant 0 : i32
      %dma_wait3A_440 = tpu.memref_slice %arg3[%dma_wait3A_439] : memref<6400000xi32, #tpu.memory_space<hbm>> -> memref<2048xi32, #tpu.memory_space<hbm>>
      %dma_wait3A_441 = arith.constant 0 : i32
      %dma_wait3A_442 = tpu.memref_slice %arg3[%dma_wait3A_441] : memref<6400000xi32, #tpu.memory_space<hbm>> -> memref<2048xi32, #tpu.memory_space<hbm>>
      tpu.wait_dma2 semaphore(%arg16 : memref<!tpu.dma_semaphore, #tpu.memory_space<semaphore_mem>>) src(%dma_wait3A_442 : memref<2048xi32, #tpu.memory_space<hbm>>) dst(%arg7 : memref<2048xi32, #tpu.memory_space<vmem>>)
      %dma_start3A_443 = arith.constant 0 : i32
      %dma_start3A_444 = arith.constant 0 : i32
      %dma_start3A_445 = tpu.memref_slice %arg9[%dma_start3A_443, %dma_start3A_444] : memref<1024x16xf32, #tpu.memory_space<vmem>> -> memref<128x16xf32, #tpu.memory_space<vmem>>
      %dma_start3A_446 = arith.constant 0 : i32
      %dma_start3A_447 = tpu.memref_slice %arg7[%dma_start3A_446] : memref<2048xi32, #tpu.memory_space<vmem>> -> memref<128xi32, #tpu.memory_space<vmem>>
      %dma_start3A_448 = arith.constant 0 : i32
      %dma_start3A_449 = arith.constant 0 : i32
      %dma_start3A_450 = tpu.memref_slice %arg2[%dma_start3A_448, %dma_start3A_449] : memref<100000x16xf32, #tpu.memory_space<hbm>> -> memref<100000x16xf32, #tpu.memory_space<hbm>>
      tpu.enqueue_indirect_dma source(%dma_start3A_450 : memref<100000x16xf32, #tpu.memory_space<hbm>>) target(%dma_start3A_445 : memref<128x16xf32, #tpu.memory_space<vmem>>) offsets(%dma_start3A_447 : memref<128xi32, #tpu.memory_space<vmem>>) semaphore(%arg18 : memref<!tpu.dma_semaphore, #tpu.memory_space<semaphore_mem>>)
      %dma_start3A_451 = arith.constant 0 : i32
      %dma_start3A_452 = arith.constant 0 : i32
      %dma_start3A_453 = tpu.memref_slice %arg11[%dma_start3A_451, %dma_start3A_452] : memref<1024x16xf32, #tpu.memory_space<vmem>> -> memref<128x16xf32, #tpu.memory_space<vmem>>
      %dma_start3A_454 = arith.constant 1024 : i32
      %dma_start3A_455 = tpu.memref_slice %arg7[%dma_start3A_454] : memref<2048xi32, #tpu.memory_space<vmem>> -> memref<128xi32, #tpu.memory_space<vmem>>
      %dma_start3A_456 = arith.constant 0 : i32
      %dma_start3A_457 = arith.constant 0 : i32
      %dma_start3A_458 = tpu.memref_slice %arg2[%dma_start3A_456, %dma_start3A_457] : memref<100000x16xf32, #tpu.memory_space<hbm>> -> memref<100000x16xf32, #tpu.memory_space<hbm>>
      tpu.enqueue_indirect_dma source(%dma_start3A_458 : memref<100000x16xf32, #tpu.memory_space<hbm>>) target(%dma_start3A_453 : memref<128x16xf32, #tpu.memory_space<vmem>>) offsets(%dma_start3A_455 : memref<128xi32, #tpu.memory_space<vmem>>) semaphore(%arg18 : memref<!tpu.dma_semaphore, #tpu.memory_space<semaphore_mem>>)
      %dma_start3A_459 = arith.constant 128 : i32
      %dma_start3A_460 = arith.constant 0 : i32
      %dma_start3A_461 = tpu.memref_slice %arg9[%dma_start3A_459, %dma_start3A_460] : memref<1024x16xf32, #tpu.memory_space<vmem>> -> memref<128x16xf32, #tpu.memory_space<vmem>>
      %dma_start3A_462 = arith.constant 128 : i32
      %dma_start3A_463 = tpu.memref_slice %arg7[%dma_start3A_462] : memref<2048xi32, #tpu.memory_space<vmem>> -> memref<128xi32, #tpu.memory_space<vmem>>
      %dma_start3A_464 = arith.constant 0 : i32
      %dma_start3A_465 = arith.constant 0 : i32
      %dma_start3A_466 = tpu.memref_slice %arg2[%dma_start3A_464, %dma_start3A_465] : memref<100000x16xf32, #tpu.memory_space<hbm>> -> memref<100000x16xf32, #tpu.memory_space<hbm>>
      tpu.enqueue_indirect_dma source(%dma_start3A_466 : memref<100000x16xf32, #tpu.memory_space<hbm>>) target(%dma_start3A_461 : memref<128x16xf32, #tpu.memory_space<vmem>>) offsets(%dma_start3A_463 : memref<128xi32, #tpu.memory_space<vmem>>) semaphore(%arg18 : memref<!tpu.dma_semaphore, #tpu.memory_space<semaphore_mem>>)
      %dma_start3A_467 = arith.constant 128 : i32
      %dma_start3A_468 = arith.constant 0 : i32
      %dma_start3A_469 = tpu.memref_slice %arg11[%dma_start3A_467, %dma_start3A_468] : memref<1024x16xf32, #tpu.memory_space<vmem>> -> memref<128x16xf32, #tpu.memory_space<vmem>>
      %dma_start3A_470 = arith.constant 1152 : i32
      %dma_start3A_471 = tpu.memref_slice %arg7[%dma_start3A_470] : memref<2048xi32, #tpu.memory_space<vmem>> -> memref<128xi32, #tpu.memory_space<vmem>>
      %dma_start3A_472 = arith.constant 0 : i32
      %dma_start3A_473 = arith.constant 0 : i32
      %dma_start3A_474 = tpu.memref_slice %arg2[%dma_start3A_472, %dma_start3A_473] : memref<100000x16xf32, #tpu.memory_space<hbm>> -> memref<100000x16xf32, #tpu.memory_space<hbm>>
      tpu.enqueue_indirect_dma source(%dma_start3A_474 : memref<100000x16xf32, #tpu.memory_space<hbm>>) target(%dma_start3A_469 : memref<128x16xf32, #tpu.memory_space<vmem>>) offsets(%dma_start3A_471 : memref<128xi32, #tpu.memory_space<vmem>>) semaphore(%arg18 : memref<!tpu.dma_semaphore, #tpu.memory_space<semaphore_mem>>)
      %dma_start3A_475 = arith.constant 256 : i32
      %dma_start3A_476 = arith.constant 0 : i32
      %dma_start3A_477 = tpu.memref_slice %arg9[%dma_start3A_475, %dma_start3A_476] : memref<1024x16xf32, #tpu.memory_space<vmem>> -> memref<128x16xf32, #tpu.memory_space<vmem>>
      %dma_start3A_478 = arith.constant 256 : i32
      %dma_start3A_479 = tpu.memref_slice %arg7[%dma_start3A_478] : memref<2048xi32, #tpu.memory_space<vmem>> -> memref<128xi32, #tpu.memory_space<vmem>>
      %dma_start3A_480 = arith.constant 0 : i32
      %dma_start3A_481 = arith.constant 0 : i32
      %dma_start3A_482 = tpu.memref_slice %arg2[%dma_start3A_480, %dma_start3A_481] : memref<100000x16xf32, #tpu.memory_space<hbm>> -> memref<100000x16xf32, #tpu.memory_space<hbm>>
      tpu.enqueue_indirect_dma source(%dma_start3A_482 : memref<100000x16xf32, #tpu.memory_space<hbm>>) target(%dma_start3A_477 : memref<128x16xf32, #tpu.memory_space<vmem>>) offsets(%dma_start3A_479 : memref<128xi32, #tpu.memory_space<vmem>>) semaphore(%arg18 : memref<!tpu.dma_semaphore, #tpu.memory_space<semaphore_mem>>)
      %dma_start3A_483 = arith.constant 256 : i32
      %dma_start3A_484 = arith.constant 0 : i32
      %dma_start3A_485 = tpu.memref_slice %arg11[%dma_start3A_483, %dma_start3A_484] : memref<1024x16xf32, #tpu.memory_space<vmem>> -> memref<128x16xf32, #tpu.memory_space<vmem>>
      %dma_start3A_486 = arith.constant 1280 : i32
      %dma_start3A_487 = tpu.memref_slice %arg7[%dma_start3A_486] : memref<2048xi32, #tpu.memory_space<vmem>> -> memref<128xi32, #tpu.memory_space<vmem>>
      %dma_start3A_488 = arith.constant 0 : i32
      %dma_start3A_489 = arith.constant 0 : i32
      %dma_start3A_490 = tpu.memref_slice %arg2[%dma_start3A_488, %dma_start3A_489] : memref<100000x16xf32, #tpu.memory_space<hbm>> -> memref<100000x16xf32, #tpu.memory_space<hbm>>
      tpu.enqueue_indirect_dma source(%dma_start3A_490 : memref<100000x16xf32, #tpu.memory_space<hbm>>) target(%dma_start3A_485 : memref<128x16xf32, #tpu.memory_space<vmem>>) offsets(%dma_start3A_487 : memref<128xi32, #tpu.memory_space<vmem>>) semaphore(%arg18 : memref<!tpu.dma_semaphore, #tpu.memory_space<semaphore_mem>>)
      %dma_start3A_491 = arith.constant 384 : i32
      %dma_start3A_492 = arith.constant 0 : i32
      %dma_start3A_493 = tpu.memref_slice %arg9[%dma_start3A_491, %dma_start3A_492] : memref<1024x16xf32, #tpu.memory_space<vmem>> -> memref<128x16xf32, #tpu.memory_space<vmem>>
      %dma_start3A_494 = arith.constant 384 : i32
      %dma_start3A_495 = tpu.memref_slice %arg7[%dma_start3A_494] : memref<2048xi32, #tpu.memory_space<vmem>> -> memref<128xi32, #tpu.memory_space<vmem>>
      %dma_start3A_496 = arith.constant 0 : i32
      %dma_start3A_497 = arith.constant 0 : i32
      %dma_start3A_498 = tpu.memref_slice %arg2[%dma_start3A_496, %dma_start3A_497] : memref<100000x16xf32, #tpu.memory_space<hbm>> -> memref<100000x16xf32, #tpu.memory_space<hbm>>
      tpu.enqueue_indirect_dma source(%dma_start3A_498 : memref<100000x16xf32, #tpu.memory_space<hbm>>) target(%dma_start3A_493 : memref<128x16xf32, #tpu.memory_space<vmem>>) offsets(%dma_start3A_495 : memref<128xi32, #tpu.memory_space<vmem>>) semaphore(%arg18 : memref<!tpu.dma_semaphore, #tpu.memory_space<semaphore_mem>>)
      %dma_start3A_499 = arith.constant 384 : i32
      %dma_start3A_500 = arith.constant 0 : i32
      %dma_start3A_501 = tpu.memref_slice %arg11[%dma_start3A_499, %dma_start3A_500] : memref<1024x16xf32, #tpu.memory_space<vmem>> -> memref<128x16xf32, #tpu.memory_space<vmem>>
      %dma_start3A_502 = arith.constant 1408 : i32
      %dma_start3A_503 = tpu.memref_slice %arg7[%dma_start3A_502] : memref<2048xi32, #tpu.memory_space<vmem>> -> memref<128xi32, #tpu.memory_space<vmem>>
      %dma_start3A_504 = arith.constant 0 : i32
      %dma_start3A_505 = arith.constant 0 : i32
      %dma_start3A_506 = tpu.memref_slice %arg2[%dma_start3A_504, %dma_start3A_505] : memref<100000x16xf32, #tpu.memory_space<hbm>> -> memref<100000x16xf32, #tpu.memory_space<hbm>>
      tpu.enqueue_indirect_dma source(%dma_start3A_506 : memref<100000x16xf32, #tpu.memory_space<hbm>>) target(%dma_start3A_501 : memref<128x16xf32, #tpu.memory_space<vmem>>) offsets(%dma_start3A_503 : memref<128xi32, #tpu.memory_space<vmem>>) semaphore(%arg18 : memref<!tpu.dma_semaphore, #tpu.memory_space<semaphore_mem>>)
      %dma_start3A_507 = arith.constant 512 : i32
      %dma_start3A_508 = arith.constant 0 : i32
      %dma_start3A_509 = tpu.memref_slice %arg9[%dma_start3A_507, %dma_start3A_508] : memref<1024x16xf32, #tpu.memory_space<vmem>> -> memref<128x16xf32, #tpu.memory_space<vmem>>
      %dma_start3A_510 = arith.constant 512 : i32
      %dma_start3A_511 = tpu.memref_slice %arg7[%dma_start3A_510] : memref<2048xi32, #tpu.memory_space<vmem>> -> memref<128xi32, #tpu.memory_space<vmem>>
      %dma_start3A_512 = arith.constant 0 : i32
      %dma_start3A_513 = arith.constant 0 : i32
      %dma_start3A_514 = tpu.memref_slice %arg2[%dma_start3A_512, %dma_start3A_513] : memref<100000x16xf32, #tpu.memory_space<hbm>> -> memref<100000x16xf32, #tpu.memory_space<hbm>>
      tpu.enqueue_indirect_dma source(%dma_start3A_514 : memref<100000x16xf32, #tpu.memory_space<hbm>>) target(%dma_start3A_509 : memref<128x16xf32, #tpu.memory_space<vmem>>) offsets(%dma_start3A_511 : memref<128xi32, #tpu.memory_space<vmem>>) semaphore(%arg18 : memref<!tpu.dma_semaphore, #tpu.memory_space<semaphore_mem>>)
      %dma_start3A_515 = arith.constant 512 : i32
      %dma_start3A_516 = arith.constant 0 : i32
      %dma_start3A_517 = tpu.memref_slice %arg11[%dma_start3A_515, %dma_start3A_516] : memref<1024x16xf32, #tpu.memory_space<vmem>> -> memref<128x16xf32, #tpu.memory_space<vmem>>
      %dma_start3A_518 = arith.constant 1536 : i32
      %dma_start3A_519 = tpu.memref_slice %arg7[%dma_start3A_518] : memref<2048xi32, #tpu.memory_space<vmem>> -> memref<128xi32, #tpu.memory_space<vmem>>
      %dma_start3A_520 = arith.constant 0 : i32
      %dma_start3A_521 = arith.constant 0 : i32
      %dma_start3A_522 = tpu.memref_slice %arg2[%dma_start3A_520, %dma_start3A_521] : memref<100000x16xf32, #tpu.memory_space<hbm>> -> memref<100000x16xf32, #tpu.memory_space<hbm>>
      tpu.enqueue_indirect_dma source(%dma_start3A_522 : memref<100000x16xf32, #tpu.memory_space<hbm>>) target(%dma_start3A_517 : memref<128x16xf32, #tpu.memory_space<vmem>>) offsets(%dma_start3A_519 : memref<128xi32, #tpu.memory_space<vmem>>) semaphore(%arg18 : memref<!tpu.dma_semaphore, #tpu.memory_space<semaphore_mem>>)
      %dma_start3A_523 = arith.constant 640 : i32
      %dma_start3A_524 = arith.constant 0 : i32
      %dma_start3A_525 = tpu.memref_slice %arg9[%dma_start3A_523, %dma_start3A_524] : memref<1024x16xf32, #tpu.memory_space<vmem>> -> memref<128x16xf32, #tpu.memory_space<vmem>>
      %dma_start3A_526 = arith.constant 640 : i32
      %dma_start3A_527 = tpu.memref_slice %arg7[%dma_start3A_526] : memref<2048xi32, #tpu.memory_space<vmem>> -> memref<128xi32, #tpu.memory_space<vmem>>
      %dma_start3A_528 = arith.constant 0 : i32
      %dma_start3A_529 = arith.constant 0 : i32
      %dma_start3A_530 = tpu.memref_slice %arg2[%dma_start3A_528, %dma_start3A_529] : memref<100000x16xf32, #tpu.memory_space<hbm>> -> memref<100000x16xf32, #tpu.memory_space<hbm>>
      tpu.enqueue_indirect_dma source(%dma_start3A_530 : memref<100000x16xf32, #tpu.memory_space<hbm>>) target(%dma_start3A_525 : memref<128x16xf32, #tpu.memory_space<vmem>>) offsets(%dma_start3A_527 : memref<128xi32, #tpu.memory_space<vmem>>) semaphore(%arg18 : memref<!tpu.dma_semaphore, #tpu.memory_space<semaphore_mem>>)
      %dma_start3A_531 = arith.constant 640 : i32
      %dma_start3A_532 = arith.constant 0 : i32
      %dma_start3A_533 = tpu.memref_slice %arg11[%dma_start3A_531, %dma_start3A_532] : memref<1024x16xf32, #tpu.memory_space<vmem>> -> memref<128x16xf32, #tpu.memory_space<vmem>>
      %dma_start3A_534 = arith.constant 1664 : i32
      %dma_start3A_535 = tpu.memref_slice %arg7[%dma_start3A_534] : memref<2048xi32, #tpu.memory_space<vmem>> -> memref<128xi32, #tpu.memory_space<vmem>>
      %dma_start3A_536 = arith.constant 0 : i32
      %dma_start3A_537 = arith.constant 0 : i32
      %dma_start3A_538 = tpu.memref_slice %arg2[%dma_start3A_536, %dma_start3A_537] : memref<100000x16xf32, #tpu.memory_space<hbm>> -> memref<100000x16xf32, #tpu.memory_space<hbm>>
      tpu.enqueue_indirect_dma source(%dma_start3A_538 : memref<100000x16xf32, #tpu.memory_space<hbm>>) target(%dma_start3A_533 : memref<128x16xf32, #tpu.memory_space<vmem>>) offsets(%dma_start3A_535 : memref<128xi32, #tpu.memory_space<vmem>>) semaphore(%arg18 : memref<!tpu.dma_semaphore, #tpu.memory_space<semaphore_mem>>)
      %dma_start3A_539 = arith.constant 768 : i32
      %dma_start3A_540 = arith.constant 0 : i32
      %dma_start3A_541 = tpu.memref_slice %arg9[%dma_start3A_539, %dma_start3A_540] : memref<1024x16xf32, #tpu.memory_space<vmem>> -> memref<128x16xf32, #tpu.memory_space<vmem>>
      %dma_start3A_542 = arith.constant 768 : i32
      %dma_start3A_543 = tpu.memref_slice %arg7[%dma_start3A_542] : memref<2048xi32, #tpu.memory_space<vmem>> -> memref<128xi32, #tpu.memory_space<vmem>>
      %dma_start3A_544 = arith.constant 0 : i32
      %dma_start3A_545 = arith.constant 0 : i32
      %dma_start3A_546 = tpu.memref_slice %arg2[%dma_start3A_544, %dma_start3A_545] : memref<100000x16xf32, #tpu.memory_space<hbm>> -> memref<100000x16xf32, #tpu.memory_space<hbm>>
      tpu.enqueue_indirect_dma source(%dma_start3A_546 : memref<100000x16xf32, #tpu.memory_space<hbm>>) target(%dma_start3A_541 : memref<128x16xf32, #tpu.memory_space<vmem>>) offsets(%dma_start3A_543 : memref<128xi32, #tpu.memory_space<vmem>>) semaphore(%arg18 : memref<!tpu.dma_semaphore, #tpu.memory_space<semaphore_mem>>)
      %dma_start3A_547 = arith.constant 768 : i32
      %dma_start3A_548 = arith.constant 0 : i32
      %dma_start3A_549 = tpu.memref_slice %arg11[%dma_start3A_547, %dma_start3A_548] : memref<1024x16xf32, #tpu.memory_space<vmem>> -> memref<128x16xf32, #tpu.memory_space<vmem>>
      %dma_start3A_550 = arith.constant 1792 : i32
      %dma_start3A_551 = tpu.memref_slice %arg7[%dma_start3A_550] : memref<2048xi32, #tpu.memory_space<vmem>> -> memref<128xi32, #tpu.memory_space<vmem>>
      %dma_start3A_552 = arith.constant 0 : i32
      %dma_start3A_553 = arith.constant 0 : i32
      %dma_start3A_554 = tpu.memref_slice %arg2[%dma_start3A_552, %dma_start3A_553] : memref<100000x16xf32, #tpu.memory_space<hbm>> -> memref<100000x16xf32, #tpu.memory_space<hbm>>
      tpu.enqueue_indirect_dma source(%dma_start3A_554 : memref<100000x16xf32, #tpu.memory_space<hbm>>) target(%dma_start3A_549 : memref<128x16xf32, #tpu.memory_space<vmem>>) offsets(%dma_start3A_551 : memref<128xi32, #tpu.memory_space<vmem>>) semaphore(%arg18 : memref<!tpu.dma_semaphore, #tpu.memory_space<semaphore_mem>>)
      %dma_start3A_555 = arith.constant 896 : i32
      %dma_start3A_556 = arith.constant 0 : i32
      %dma_start3A_557 = tpu.memref_slice %arg9[%dma_start3A_555, %dma_start3A_556] : memref<1024x16xf32, #tpu.memory_space<vmem>> -> memref<128x16xf32, #tpu.memory_space<vmem>>
      %dma_start3A_558 = arith.constant 896 : i32
      %dma_start3A_559 = tpu.memref_slice %arg7[%dma_start3A_558] : memref<2048xi32, #tpu.memory_space<vmem>> -> memref<128xi32, #tpu.memory_space<vmem>>
      %dma_start3A_560 = arith.constant 0 : i32
      %dma_start3A_561 = arith.constant 0 : i32
      %dma_start3A_562 = tpu.memref_slice %arg2[%dma_start3A_560, %dma_start3A_561] : memref<100000x16xf32, #tpu.memory_space<hbm>> -> memref<100000x16xf32, #tpu.memory_space<hbm>>
      tpu.enqueue_indirect_dma source(%dma_start3A_562 : memref<100000x16xf32, #tpu.memory_space<hbm>>) target(%dma_start3A_557 : memref<128x16xf32, #tpu.memory_space<vmem>>) offsets(%dma_start3A_559 : memref<128xi32, #tpu.memory_space<vmem>>) semaphore(%arg18 : memref<!tpu.dma_semaphore, #tpu.memory_space<semaphore_mem>>)
      %dma_start3A_563 = arith.constant 896 : i32
      %dma_start3A_564 = arith.constant 0 : i32
      %dma_start3A_565 = tpu.memref_slice %arg11[%dma_start3A_563, %dma_start3A_564] : memref<1024x16xf32, #tpu.memory_space<vmem>> -> memref<128x16xf32, #tpu.memory_space<vmem>>
      %dma_start3A_566 = arith.constant 1920 : i32
      %dma_start3A_567 = tpu.memref_slice %arg7[%dma_start3A_566] : memref<2048xi32, #tpu.memory_space<vmem>> -> memref<128xi32, #tpu.memory_space<vmem>>
      %dma_start3A_568 = arith.constant 0 : i32
      %dma_start3A_569 = arith.constant 0 : i32
      %dma_start3A_570 = tpu.memref_slice %arg2[%dma_start3A_568, %dma_start3A_569] : memref<100000x16xf32, #tpu.memory_space<hbm>> -> memref<100000x16xf32, #tpu.memory_space<hbm>>
      tpu.enqueue_indirect_dma source(%dma_start3A_570 : memref<100000x16xf32, #tpu.memory_space<hbm>>) target(%dma_start3A_565 : memref<128x16xf32, #tpu.memory_space<vmem>>) offsets(%dma_start3A_567 : memref<128xi32, #tpu.memory_space<vmem>>) semaphore(%arg18 : memref<!tpu.dma_semaphore, #tpu.memory_space<semaphore_mem>>)
      %dma_wait3A_571 = arith.constant 0 : i32
      %dma_wait3A_572 = tpu.memref_slice %arg6[%dma_wait3A_571] : memref<6401024xf32, #tpu.memory_space<hbm>> -> memref<1024xf32, #tpu.memory_space<hbm>>
      %dma_wait3A_573 = arith.constant 0 : i32
      %dma_wait3A_574 = tpu.memref_slice %arg6[%dma_wait3A_573] : memref<6401024xf32, #tpu.memory_space<hbm>> -> memref<1024xf32, #tpu.memory_space<hbm>>
      tpu.wait_dma2 semaphore(%arg21 : memref<!tpu.dma_semaphore, #tpu.memory_space<semaphore_mem>>) src(%dma_wait3A_574 : memref<1024xf32, #tpu.memory_space<hbm>>) dst(%arg14 : memref<1024xf32, #tpu.memory_space<vmem>>)
      %scan3A_575 = arith.constant 0 : i32
      %scan3A_576 = arith.constant 0 : i32
      %scan3A_577 = arith.constant 64 : i32
      %scan3A_578 = arith.addi %scan3A_576, %scan3A_577 : i32
      %scan3A_579 = arith.constant 1 : i32
      %scan3A_580 = scf.for %scan3A_594 = %scan3A_576 to %scan3A_578 step %scan3A_579 iter_args(%scan3A_595 = %scan3A_575) -> (i32)  : i32 {
        %mul3A_596 = arith.constant 16 : i32
        %mul3A_597 = arith.muli %scan3A_594, %mul3A_596 : i32
        %add3A_598 = vector.broadcast %mul3A_597 : i32 to vector<16xi32>
        %add3A_599 = arith.addi %add3A_598, %iota3A : vector<16xi32>
        %gather3A = tpu.vector_load_idx %arg10[%add3A_599, %broadcast_in_dim3A_1] : memref<1024x16xf32, #tpu.memory_space<vmem>>[vector<16xi32>, vector<16xi32>], vector<16xf32>,
        %add3A_600 = arith.constant 1 : i32
        %add3A_601 = vector.broadcast %add3A_600 : i32 to vector<16xi32>
        %add3A_602 = arith.addi %broadcast_in_dim3A_1, %add3A_601 : vector<16xi32>
        %gather3A_603 = tpu.vector_load_idx %arg10[%add3A_599, %add3A_602] : memref<1024x16xf32, #tpu.memory_space<vmem>>[vector<16xi32>, vector<16xi32>], vector<16xf32>,
        %add3A_604 = arith.constant 2 : i32
        %add3A_605 = vector.broadcast %add3A_604 : i32 to vector<16xi32>
        %add3A_606 = arith.addi %broadcast_in_dim3A_1, %add3A_605 : vector<16xi32>
        %gather3A_607 = tpu.vector_load_idx %arg10[%add3A_599, %add3A_606] : memref<1024x16xf32, #tpu.memory_space<vmem>>[vector<16xi32>, vector<16xi32>], vector<16xf32>,
        %add3A_608 = arith.constant 3 : i32
        %add3A_609 = vector.broadcast %add3A_608 : i32 to vector<16xi32>
        %add3A_610 = arith.addi %broadcast_in_dim3A_1, %add3A_609 : vector<16xi32>
        %gather3A_611 = tpu.vector_load_idx %arg10[%add3A_599, %add3A_610] : memref<1024x16xf32, #tpu.memory_space<vmem>>[vector<16xi32>, vector<16xi32>], vector<16xf32>,
        %gather3A_612 = tpu.vector_load_idx %arg12[%add3A_599, %broadcast_in_dim3A_1] : memref<1024x16xf32, #tpu.memory_space<vmem>>[vector<16xi32>, vector<16xi32>], vector<16xf32>,
        %add3A_613 = arith.constant 1 : i32
        %add3A_614 = vector.broadcast %add3A_613 : i32 to vector<16xi32>
        %add3A_615 = arith.addi %broadcast_in_dim3A_1, %add3A_614 : vector<16xi32>
        %gather3A_616 = tpu.vector_load_idx %arg12[%add3A_599, %add3A_615] : memref<1024x16xf32, #tpu.memory_space<vmem>>[vector<16xi32>, vector<16xi32>], vector<16xf32>,
        %add3A_617 = arith.constant 2 : i32
        %add3A_618 = vector.broadcast %add3A_617 : i32 to vector<16xi32>
        %add3A_619 = arith.addi %broadcast_in_dim3A_1, %add3A_618 : vector<16xi32>
        %gather3A_620 = tpu.vector_load_idx %arg12[%add3A_599, %add3A_619] : memref<1024x16xf32, #tpu.memory_space<vmem>>[vector<16xi32>, vector<16xi32>], vector<16xf32>,
        %add3A_621 = arith.constant 3 : i32
        %add3A_622 = vector.broadcast %add3A_621 : i32 to vector<16xi32>
        %add3A_623 = arith.addi %broadcast_in_dim3A_1, %add3A_622 : vector<16xi32>
        %gather3A_624 = tpu.vector_load_idx %arg12[%add3A_599, %add3A_623] : memref<1024x16xf32, #tpu.memory_space<vmem>>[vector<16xi32>, vector<16xi32>], vector<16xf32>,
        %sub3A = arith.subf %gather3A, %gather3A_612 : vector<16xf32>
        %sub3A_625 = arith.subf %gather3A_603, %gather3A_616 : vector<16xf32>
        %sub3A_626 = arith.subf %gather3A_607, %gather3A_620 : vector<16xf32>
        %mul3A_627 = arith.mulf %sub3A, %sub3A : vector<16xf32>
        %mul3A_628 = arith.mulf %sub3A_625, %sub3A_625 : vector<16xf32>
        %add3A_629 = arith.addf %mul3A_627, %mul3A_628 : vector<16xf32>
        %mul3A_630 = arith.mulf %sub3A_626, %sub3A_626 : vector<16xf32>
        %add3A_631 = arith.addf %add3A_629, %mul3A_630 : vector<16xf32>
        %convert_element_type3A = arith.fptosi %gather3A_611 : vector<16xf32> to vector<16xi32>
        %mul3A_632 = arith.constant 4 : i32
        %mul3A_633 = vector.broadcast %mul3A_632 : i32 to vector<16xi32>
        %mul3A_634 = arith.muli %convert_element_type3A, %mul3A_633 : vector<16xi32>
        %convert_element_type3A_635 = arith.fptosi %gather3A_624 : vector<16xf32> to vector<16xi32>
        %add3A_636 = arith.addi %mul3A_634, %convert_element_type3A_635 : vector<16xi32>
        %gather3A_637 = tpu.vector_load_idx %arg15[%add3A_636] : memref<16xf32, #tpu.memory_space<vmem>>[vector<16xi32>], vector<16xf32>,
        %mul3A_638 = arith.mulf %gather3A_637, %gather3A_637 : vector<16xf32>
        %div3A = arith.divf %mul3A_638, %add3A_631 : vector<16xf32>
        %mul3A_639 = arith.mulf %div3A, %div3A : vector<16xf32>
        %mul3A_640 = arith.mulf %mul3A_639, %div3A : vector<16xf32>
        %mul3A_641 = arith.constant 16 : i32
        %mul3A_642 = arith.muli %scan3A_594, %mul3A_641 : i32
        %swap3A = arith.index_cast %mul3A_642 : i32 to index
        %swap3A_643 = tpu.vector_load %arg14[%swap3A] {strides = array<i32>} : memref<1024xf32, #tpu.memory_space<vmem>>, vector<16xf32>,
        tpu.vector_store %arg14[%swap3A], %mul3A_640 {strides = array<i32>} : memref<1024xf32, #tpu.memory_space<vmem>>, vector<16xf32>,
        %scan3A_644 = arith.constant 0 : i32
        scf.yield %scan3A_644 : i32
      }
      %scan3A_581 = arith.constant 64 : i32
      %mul3A_582 = arith.constant 32 : i32
      %mul3A_583 = arith.muli %add3A_403, %mul3A_582 : i32
      %add3A_584 = arith.addi %add3A, %mul3A_583 : i32
      %lt3A_585 = arith.constant 6250 : i32
      %lt3A_586 = arith.cmpi slt, %add3A_584, %lt3A_585 : i32
      %jit3A_587 = arith.constant 6250 : i32
      %select_n3A_588 = arith.select %lt3A_586, %add3A_584, %jit3A_587 : i32
      %mul3A_589 = arith.constant 1024 : i32
      %mul3A_590 = arith.muli %select_n3A_588, %mul3A_589 : i32
      %dma_start3A_591 = tpu.memref_slice %arg6[%mul3A_590] : memref<6401024xf32, #tpu.memory_space<hbm>> -> memref<1024xf32, #tpu.memory_space<hbm>>
      %dma_start3A_592 = tpu.memref_slice %arg6[%mul3A_590] : memref<6401024xf32, #tpu.memory_space<hbm>> -> memref<1024xf32, #tpu.memory_space<hbm>>
      tpu.enqueue_dma source(%arg14 : memref<1024xf32, #tpu.memory_space<vmem>>) target(%dma_start3A_592 : memref<1024xf32, #tpu.memory_space<hbm>>) target_semaphore(%arg21 : memref<!tpu.dma_semaphore, #tpu.memory_space<semaphore_mem>>)
      %scan3A_593 = arith.constant 0 : i32
      scf.yield %scan3A_593 : i32
    }
    %scan3A_182 = arith.constant 98 : i32
    %dma_wait3A_183 = arith.constant 0 : i32
    %dma_wait3A_184 = arith.constant 0 : i32
    %dma_wait3A_185 = tpu.memref_slice %arg2[%dma_wait3A_183, %dma_wait3A_184] : memref<100000x16xf32, #tpu.memory_space<hbm>> -> memref<1024x16xf32, #tpu.memory_space<hbm>>
    %dma_wait3A_186 = arith.constant 0 : i32
    %dma_wait3A_187 = arith.constant 0 : i32
    %dma_wait3A_188 = tpu.memref_slice %arg2[%dma_wait3A_186, %dma_wait3A_187] : memref<100000x16xf32, #tpu.memory_space<hbm>> -> memref<1024x16xf32, #tpu.memory_space<hbm>>
    tpu.wait_dma2 semaphore(%arg18 : memref<!tpu.dma_semaphore, #tpu.memory_space<semaphore_mem>>) src(%dma_wait3A_188 : memref<1024x16xf32, #tpu.memory_space<hbm>>) dst(%arg9 : memref<1024x16xf32, #tpu.memory_space<vmem>>)
    %dma_wait3A_189 = arith.constant 0 : i32
    %dma_wait3A_190 = arith.constant 0 : i32
    %dma_wait3A_191 = tpu.memref_slice %arg2[%dma_wait3A_189, %dma_wait3A_190] : memref<100000x16xf32, #tpu.memory_space<hbm>> -> memref<1024x16xf32, #tpu.memory_space<hbm>>
    %dma_wait3A_192 = arith.constant 0 : i32
    %dma_wait3A_193 = arith.constant 0 : i32
    %dma_wait3A_194 = tpu.memref_slice %arg2[%dma_wait3A_192, %dma_wait3A_193] : memref<100000x16xf32, #tpu.memory_space<hbm>> -> memref<1024x16xf32, #tpu.memory_space<hbm>>
    tpu.wait_dma2 semaphore(%arg18 : memref<!tpu.dma_semaphore, #tpu.memory_space<semaphore_mem>>) src(%dma_wait3A_194 : memref<1024x16xf32, #tpu.memory_space<hbm>>) dst(%arg11 : memref<1024x16xf32, #tpu.memory_space<vmem>>)
    %dma_wait3A_195 = arith.constant 0 : i32
    %dma_wait3A_196 = tpu.memref_slice %arg3[%dma_wait3A_195] : memref<6400000xi32, #tpu.memory_space<hbm>> -> memref<2048xi32, #tpu.memory_space<hbm>>
    %dma_wait3A_197 = arith.constant 0 : i32
    %dma_wait3A_198 = tpu.memref_slice %arg3[%dma_wait3A_197] : memref<6400000xi32, #tpu.memory_space<hbm>> -> memref<2048xi32, #tpu.memory_space<hbm>>
    tpu.wait_dma2 semaphore(%arg17 : memref<!tpu.dma_semaphore, #tpu.memory_space<semaphore_mem>>) src(%dma_wait3A_198 : memref<2048xi32, #tpu.memory_space<hbm>>) dst(%arg8 : memref<2048xi32, #tpu.memory_space<vmem>>)
    %dma_wait3A_199 = arith.constant 0 : i32
    %dma_wait3A_200 = tpu.memref_slice %arg6[%dma_wait3A_199] : memref<6401024xf32, #tpu.memory_space<hbm>> -> memref<1024xf32, #tpu.memory_space<hbm>>
    %dma_wait3A_201 = arith.constant 0 : i32
    %dma_wait3A_202 = tpu.memref_slice %arg6[%dma_wait3A_201] : memref<6401024xf32, #tpu.memory_space<hbm>> -> memref<1024xf32, #tpu.memory_space<hbm>>
    tpu.wait_dma2 semaphore(%arg20 : memref<!tpu.dma_semaphore, #tpu.memory_space<semaphore_mem>>) src(%dma_wait3A_202 : memref<1024xf32, #tpu.memory_space<hbm>>) dst(%arg13 : memref<1024xf32, #tpu.memory_space<vmem>>)
    %dma_wait3A_203 = arith.constant 0 : i32
    %dma_wait3A_204 = tpu.memref_slice %arg6[%dma_wait3A_203] : memref<6401024xf32, #tpu.memory_space<hbm>> -> memref<1024xf32, #tpu.memory_space<hbm>>
    %dma_wait3A_205 = arith.constant 0 : i32
    %dma_wait3A_206 = tpu.memref_slice %arg6[%dma_wait3A_205] : memref<6401024xf32, #tpu.memory_space<hbm>> -> memref<1024xf32, #tpu.memory_space<hbm>>
    tpu.wait_dma2 semaphore(%arg21 : memref<!tpu.dma_semaphore, #tpu.memory_space<semaphore_mem>>) src(%dma_wait3A_206 : memref<1024xf32, #tpu.memory_space<hbm>>) dst(%arg14 : memref<1024xf32, #tpu.memory_space<vmem>>)
    return
  }
}

</mosaic_0001>

<sc_bundles>
// kernel: _sc_repulsion.3.cloned.1.call-start
scs
__scs_entry_jumppad:
0x0: {  	(pc) =	sbr.rel $0x88, $3  }
0x1: {  	(tag) =	ssettag $0x0;
	lr =	simm.s32 $0x1  }
0x2: {  	[smem:$0x3F9D] =	sst lr;
	_ =	strace $0xD0000000  }
0x3: {  	_ = 	snop  }
0x4: {  	_ = 	snop  }
0x5: {  	_ = 	snop  }
0x6: {  	_ = 	snop  }
0x7: {  	_ = 	snop  }
__scs_overlays_trampoline_lowered:
0x8: {  	[smem:$0x3FAC] =	sst s0  }
0x9: {  	[smem:$0x3FAD] =	sst s1  }
0xa: {  	[smem:$0x3FAE] =	sst s2  }
0xb: {  	[smem:$0x3FAF] =	sst s3  }
0xc: {  	[smem:$0x3FB0] =	sst s4  }
0xd: {  	[smem:$0x3FB1] =	sst s5  }
0xe: {  	[smem:$0x3FB2] =	sst s6  }
0xf: {  	[smem:$0x3FB3] =	sst s7  }
0x10: {  	[smem:$0x3FB4] =	sst s8  }
0x11: {  	[smem:$0x3FB5] =	sst s9;
	s0 =	simm.s32 @!p0 $0x0  }
0x12: {  	s1 =	sld [smem:$0x3F9B];
	s0 =	simm.s32 @p0 $0x1  }
0x13: {  	[smem:$0x3FB6] =	sst s0;
	s0 =	simm.s32 @!p1 $0x0  }
0x14: {  	s2 =	sld [smem:$0x3F9A];
	s0 =	simm.s32 @p1 $0x1  }
0x15: {  	[smem:$0x3FB7] =	sst s0;
	s0 =	simm.s32 @!p2 $0x0  }
0x16: {  	s3 =	sld [smem:$0x3FDB];
	s0 =	simm.s32 @p2 $0x1  }
0x17: {  	s4 =	simm.s32 $0x1BF5;
	[smem:$0x3FB9] =	sst s0  }
0x18: {  	s0 =	sld [smem:$0x3F9C];
	_ =	swait.ge [sflag:s4], $0x0  }
0x19: {  	s7 =	sld [smem:$0x3F9D]  }
0x1a: {  	s8 =	sadd.s32 $0xFFFFE003, lr  }
0x1b: {  	s9 =	sadd.s32 $0xFFFFFEF7, lr;
	s5 =	simm.s32 $0xFFFFFFFF;
	p2 =	slt.u32 s8, $0xFFFFF086  }
0x1c: {  	p1 =	slt.u32 s9, $0xF7A;
	s5 =	simm.s32 @!p2 $0x0  }
0x1d: {  	s5 =	simm.s32 @p1 $0x1;
	p0 =	seq.s32 s7, s2  }
0x1e: {  	s7 =	smul.u32 @!p0 $0xF7A, s2;
	p2 =	seq.s32 @!p0 s5, $0x0  }
0x1f: {  	s9 =	smul.u32 $0xF7A, s1;
	s8 =	simm.s32 @!p0 $0x1BF5;
	p2 =	por !p2, p0  }
0x20: {  	[sflag:s8] =	ssyncset.s32 @!p0 $0xFFFFF086;
	s6 =	sadd.s32 @!p0 s3, s7;
	s7 =	simm.s32 @!p0 $0x108  }
0x21: {  	s3 =	sadd.s32 s3, s9;
	s6 =	sadd.s32 @!p0 $0x88, s6;
	s7 =	simm.s32 @p2 $0x1082  }
0x22: {  	[simem:s7], [sflag:s8] =	dma.local @!p0 [hbm:s6], $0xF7A  }
0x23: {  	s9 =	sor.u32 $0xD0000000, s2;
	s6 =	simm.s32 $0x108;
	_ =	swait.ge @!p0 [sflag:s8], $0x0  }
0x24: {  	s3 =	sadd.s32 $0x88, s3;
	s6 =	simm.s32 @!p1 $0x1082;
	[sflag:s4] =	ssyncset.s32 $0xFFFFF086  }
0x25: {  	[simem:s6], [sflag:s4] =	dma.local [hbm:s3], $0xF7A  }
0x26: {  	[smem:$0x3F9D] =	sst s1;
	(tag) =	ssettag s2;
	_ =	strace s9  }
0x27: {  	s1 =	sld [smem:$0x3FAD]  }
0x28: {  	s2 =	sld [smem:$0x3FAE]  }
0x29: {  	s4 =	sld [smem:$0x3FB0]  }
0x2a: {  	p0 =	seq.s32 s5, $0x0;
	s5 =	sld [smem:$0x3FB1]  }
0x2b: {  	s6 =	sld [smem:$0x3FB2]  }
0x2c: {  	s7 =	sld [smem:$0x3FB3]  }
0x2d: {  	s3 =	simm.s32 $0x108;
	s8 =	sld [smem:$0x3FB4]  }
0x2e: {  	s3 =	simm.s32 @!p0 $0x1082;
	s9 =	sld [smem:$0x3FB5]  }
0x2f: {  	lr =	sadd.s32 s0, s3;
	s0 =	sld [smem:$0x3FAC]  }
0x30: {  	s3 =	sld [smem:$0x3FAF]  }
0x31: {  	[smem:$0x3FB8] =	sst s10  }
0x32: {  	s10 =	sld [smem:$0x3FB6];
	_ =	sdelay $0x3  }
0x33: {  	p0 =	seq.s32 s10, $0x1;
	s10 =	sld [smem:$0x3FB8];
	_ =	sdelay $0x3  }
0x34: {  	[smem:$0x3FB8] =	sst s10  }
0x35: {  	s10 =	sld [smem:$0x3FB7];
	_ =	sdelay $0x3  }
0x36: {  	p1 =	seq.s32 s10, $0x1;
	s10 =	sld [smem:$0x3FB8];
	_ =	sdelay $0x3  }
0x37: {  	[smem:$0x3FB8] =	sst s10  }
0x38: {  	s10 =	sld [smem:$0x3FB9]  }
0x39: {  	_ = 	snop;
	(pc) =	sbr.ind lr, $3  }
0x3a: {  	_ = 	snop  }
0x3b: {  	_ = 	snop  }
0x3c: {  	p2 =	seq.s32 s10, $0x1;
	s10 =	sld [smem:$0x3FB8]  }
0x3d: {  	_ =	shalt  }
0x3e: {  	_ =	shalt  }
0x3f: {  	_ =	shalt  }
0x40: {  	_ =	shalt  }
0x41: {  	_ =	shalt  }
0x42: {  	_ =	shalt  }
0x43: {  	_ =	shalt  }
0x44: {  	_ =	shalt  }
0x45: {  	_ =	shalt  }
0x46: {  	_ =	shalt  }
0x47: {  	_ =	shalt  }
0x48: {  	_ =	shalt  }
0x49: {  	_ =	shalt  }
0x4a: {  	_ =	shalt  }
0x4b: {  	_ =	shalt  }
0x4c: {  	_ =	shalt  }
0x4d: {  	_ =	shalt  }
0x4e: {  	_ =	shalt  }
0x4f: {  	_ =	shalt  }
0x50: {  	_ =	shalt  }
0x51: {  	_ =	shalt  }
0x52: {  	_ =	shalt  }
0x53: {  	_ =	shalt  }
0x54: {  	_ =	shalt  }
0x55: {  	_ =	shalt  }
0x56: {  	_ =	shalt  }
0x57: {  	_ =	shalt  }
0x58: {  	_ =	shalt  }
0x59: {  	_ =	shalt  }
0x5a: {  	_ =	shalt  }
0x5b: {  	_ =	shalt  }
0x5c: {  	_ =	shalt  }
0x5d: {  	_ =	shalt  }
0x5e: {  	_ =	shalt  }
0x5f: {  	_ =	shalt  }
0x60: {  	_ =	shalt  }
0x61: {  	_ =	shalt  }
0x62: {  	_ =	shalt  }
0x63: {  	_ =	shalt  }
0x64: {  	_ =	shalt  }
0x65: {  	_ =	shalt  }
0x66: {  	_ =	shalt  }
0x67: {  	_ =	shalt  }
0x68: {  	_ =	shalt  }
0x69: {  	_ =	shalt  }
0x6a: {  	_ =	shalt  }
0x6b: {  	_ =	shalt  }
0x6c: {  	_ =	shalt  }
0x6d: {  	_ =	shalt  }
0x6e: {  	_ =	shalt  }
0x6f: {  	_ =	shalt  }
0x70: {  	_ =	shalt  }
0x71: {  	_ =	shalt  }
0x72: {  	_ =	shalt  }
0x73: {  	_ =	shalt  }
0x74: {  	_ =	shalt  }
0x75: {  	_ =	shalt  }
0x76: {  	_ =	shalt  }
0x77: {  	_ =	shalt  }
0x78: {  	_ =	shalt  }
0x79: {  	_ =	shalt  }
0x7a: {  	_ =	shalt  }
0x7b: {  	_ =	shalt  }
0x7c: {  	_ =	shalt  }
0x7d: {  	_ =	shalt  }
0x7e: {  	_ =	shalt  }
0x7f: {  	_ =	shalt  }
0x80: {  	_ =	shalt  }
0x81: {  	_ =	shalt  }
0x82: {  	_ =	shalt  }
0x83: {  	_ =	shalt  }
0x84: {  	_ =	shalt  }
0x85: {  	_ =	shalt  }
0x86: {  	_ =	shalt  }
0x87: {  	_ =	shalt  }
.Lfunc_end0:
.L_simem_size_0:
called_computation_lowered:
.L_overlay_start_0:
0x88: {  	s2 =	sld [smem:$0x3FD9]  }
0x89: {  	s3 =	sld [smem:$0x3FFE];
	_ =	sdelay $0x1  }
0x8a: {  	s1 =	srdreg.scid  }
0x8b: {  	s0 =	sand.u32 $0x1, s1  }
0x8c: {  	s17 =	sshll.u32 s0, $0xA;
	s2 =	sadd.s32 s3, s2  }
0x8d: {  	s2 =	sadd.s32 s2, s17  }
0x8e: {  	[smem:$0x3FC4] =	sst s2  }
0x8f: {  	_ = 	snop  }
0x90: {  	s2 =	sld [smem:$0x3FC8]  }
0x91: {  	s18 =	sld [smem:$0x3FC7]  }
0x92: {  	s4 =	sld [smem:$0x3FC6]  }
0x93: {  	s5 =	sld [smem:$0x3FD0];
	(tm) =	ssettm $0x1  }
0x94: {  	s6 =	sld [smem:$0x3FFB];
	_ =	sdelay $0x3  }
0x95: {  	_ =	strace s6  }
0x96: {  	s6 =	sld [smem:$0x3FFC];
	_ =	sdelay $0x3  }
0x97: {  	_ =	strace s6  }
0x98: {  	s6 =	sld [smem:$0x3FFD];
	_ =	sdelay $0x3  }
0x99: {  	_ =	strace s6  }
0x9a: {  	_ =	strace $0x8FFFFFFF  }
0x9b: {  	s19 =	sld [smem:$0x3FDB];
	_ =	sdelay $0x1  }
0x9c: {  	s7 =	simm.s32 $_scs_section_size  }
0x9d: {  	s8 =	simm.s32 $_size__tile_overlayer_lowered;
	s9 =	simm.s32 $_tile_overlayer_lowered  }
0x9e: {  	s22 =	simm.s32 $0x1BFF;
	s21 =	sshll.u32 s9, $0x1;
	s6 =	sadd.s32 s7, s19  }
0x9f: {  	s10 =	simm.s32 $0x0;
	s20 =	sshll.u32 s8, $0x1;
	s8 =	sadd.s32 s21, s6  }
0xa0: {  	[timem:s10], [sflag:s22] =	dma.local [hbm:s8], s20  }
0xa1: {  	_ =	swait.ge [sflag:s22], s20  }
0xa2: {  	s7 =	ssub.s32 $0x0, s20;
	[sflag:s22] =	ssyncset.done $0x0  }
0xa3: {  	[sflag:s22] =	ssyncadd.s32 s7;
	_ =	sdelay $0x1  }
0xa4: {  	s23 =	simm.s32 $0x1B8B  }
0xa5: {  	_ =	swait.ge [sflag:s23], $0x1  }
0xa6: {  	[sflag:s23] =	ssyncset.done $0x0  }
0xa7: {  	s25 =	simm.s32 $0x1B8E;
	s24 =	sld [smem:$0x3FFE];
	[sflag:s23] =	ssyncadd.s32 $0xFFFFFFFF  }
0xa8: {  	s26 =	simm.s32 $execute0_lowered;
	[smem:$0x3FD2] =	sst s25  }
0xa9: {  	s8 =	sshll.u32 s26, $0x1;
	_ =	strace $0x80000046;
	[dreg:$0x1] =	wrdreg $0xFFFFFFFF  }
0xaa: {  	s28 =	simm.s32 $_size_execute0_lowered;
	s6 =	sadd.s32 s6, s8;
	[dreg:$0x0] =	wrdreg $0x0  }
0xab: {  	s8 =	sshll.u32 s28, $0x1;
	[dreg:$0x2] =	wrdreg s6  }
0xac: {  	[dreg:$0x3] =	wrdreg s8  }
0xad: {  	[dreg:$0x4] =	wrdreg $0xC0  }
0xae: {  	_ =	task [dreg:s10], $0x5FFFF  }
0xaf: {  	[dreg:$0x1] =	wrdreg $0xFFFFFFFF  }
0xb0: {  	[dreg:$0x0] =	wrdreg $0x60  }
0xb1: {  	[dreg:$0x2] =	wrdreg s24  }
0xb2: {  	[dreg:$0x3] =	wrdreg s2  }
0xb3: {  	[dreg:$0x4] =	wrdreg s18  }
0xb4: {  	[dreg:$0x5] =	wrdreg s4  }
0xb5: {  	[dreg:$0x6] =	wrdreg s5  }
0xb6: {  	[dreg:$0x7] =	wrdreg $0x9  }
0xb7: {  	_ =	task.clear_ibuf [dreg:s10], $0x8FFFF;
	_ =	strace $0x90000046  }
0xb8: {  	s29 =	simm.s32 $0x9;
	_ =	strace $0x80000048  }
0xb9: {  	_ =	swait.ge [sflag:s29], $0x1  }
0xba: {  	[sflag:s29] =	ssyncadd.s32 $0xFFFFFFFF  }
0xbb: {  	_ =	strace $0x90000048  }
0xbc: {  	_ =	sfence  }
0xbd: {  	s30 =	sld [smem:$0x0];
	_ =	sdelay $0x2  }
0xbe: {  	s31 =	sshll.u32 s1, $0xD;
	s1 =	sshrl.u32 s1, $0x2  }
0xbf: {  	s3 =	sand.u32 $0x4000, s31;
	s1 =	sadd.s32 s1, s30  }
0xc0: {  	s0 =	sor.u32 s3, s0;
	s1 =	sshll.u32 s1, $0x11  }
0xc1: {  	s0 =	sor.u32 s1, s0  }
0xc2: {  	s0 =	sadd.s32 $0x8F2B, s0  }
0xc3: {  	[sflag:s0] =	ssyncadd.remote.s32 $0x1  }
0xc4: {  	_ =	sfence.sel $0xFFFF  }
0xc5: {  	[dreg:$0x0] =	wrdreg $0xFFFFFFFF;
	(pc) =	sbr.abs _section_cstart, $3  }
0xc6: {  	[dreg:$0x1] =	wrdreg $0xFFFFFFFF  }
0xc7: {  	_ =	task.clear_ibuf [dreg:s10], $0x2FFFF;
	_ =	strace $0x9FFFFFFF  }
0xc8: {  	(tm) =	ssettm $0x7FFFFFFF  }
0xc9: {  	_ =	shalt  }
tec
execute0_lowered:
.L_overlay_start_1:
0x0: {  	(tag) =	ssettag $0x1  }
0x1: {  	s0 =	rddreg [dreg:$0x0]  }
0x2: {  	s1 =	rddreg [dreg:$0x1]  }
0x3: {  	s2 =	rddreg [dreg:$0x2]  }
0x4: {  	s5 =	rddreg [dreg:$0x4];
	s6 =	simm.s32 $0x0  }
0x5: {  	s3 =	srdreg.scid;
	s4 =	stileid.u32;
	s17 =	simm.s32 $0x11800  }
0x6: {  	s19 =	simm.s32 $0x400;
	s20 =	simm.s32 $0x800;
	s21 =	simm.s32 $0xC00  }
0x7: {  	s13 =	simm.s32 $0x3;
	s28 =	simm.s32 $0x5000;
	s29 =	simm.s32 $0xD000  }
0x8: {  	s10 =	simm.s32 $0xF80;
	s31 =	simm.s32 $0x10800;
	s11 =	simm.s32 $0x5  }
0x9: {  	s12 =	simm.s32 $0x6;
	[smem:$0x7FF] =	sst s6;
	s3 =	sand.u32 $0x1, s3  }
0xa: {  	s4 =	sshll.u32 s4, $0x1;
	s8 =	sadd.s32 $0x186E00, s0;
	s30 =	sadd.s32 $0xC3500, s5  }
0xb: {  	_ =	strace $0x80000047;
	s9 =	ssub.s32 $0x2, s3;
	s7 =	sor.u32 s3, s4  }
0xc: {  	[dreg:$0xa] =	wrdreg s30;
	s4 =	simm.s32 $0x4;
	s22 =	sshrl.u32 s9, $0x1  }
0xd: {  	s3 =	sshll.u32 s7, $0x7;
	s14 =	sor.u32 $0x40, s7;
	s15 =	sor.u32 $0x60, s7  }
0xe: {  	s0 =	ssub.s32 s9, s22;
	s23 =	sadd.s32 s1, s3;
	s24 =	sor.u32 $0x1000, s3  }
0xf: {  	s3 =	sadd.s32 s2, s3;
	s22 =	simm.s32 $0x1;
	[dreg:$0x6] =	wrdreg s23  }
0x10: {  	[dreg:$0x7] =	wrdreg s3;
	s25 =	sadd.s32 s1, s24;
	s26 =	sadd.s32 s2, s24  }
0x11: {  	s0 =	smax.u32 s0, $0x1;
	s23 =	simm.s32 $0x80;
	[dreg:$0x8] =	wrdreg s25  }
0x12: {  	v0 =	vlaneseq.u32;
	s24 =	simm.s32 $0x1000;
	s3 =	simm.s32 $0x0;
	[dreg:$0x9] =	wrdreg s26  }
0x13: {  	v0 =	vmul.u32 $0x10, v0;
	[dreg:$0xb] =	wrdreg s0;
	s25 =	simm.s32 $0x9000;
	s26 =	simm.s32 $0x2  }
.LBB2_1:
0x14: {  	[dreg:$0xc] =	wrdreg s3  }
0x15: {  	s0 =	rddreg [dreg:$0x3];
	s3 =	simm.s32 $0x7  }
0x16: {  	[tilespmem:s17], [sflag:$0x7] =	stream.linear.gather [hbm4b:s0+s6], $0x10, $0x38;
	[tilespmem:$0x11810] =	vst v63  }
0x17: {  	_ =	swait.ge [sflag:s3], $0x10  }
0x18: {  	[sflag:s3] =	ssyncset.done $0x0  }
0x19: {  	s9 =	rddreg [dreg:$0x6];
	[sflag:s3] =	ssyncadd.s32 $0xFFFFFFF0  }
0x1a: {  	[tilespmem:s6], [sflag:$0x1] =	stream.linear.gather [hbm4b:s9+s6], $0x400, $0x38;
	[tilespmem:$0x11810] =	vst v63  }
0x1b: {  	s16 =	rddreg [dreg:$0x7]  }
0x1c: {  	[tilespmem:s19], [sflag:$0x1] =	stream.linear.gather [hbm4b:s16+s6], $0x400, $0x38;
	[tilespmem:$0x11810] =	vst v63  }
0x1d: {  	s18 =	rddreg [dreg:$0x8]  }
0x1e: {  	[tilespmem:s20], [sflag:$0x2] =	stream.linear.gather [hbm4b:s18+s6], $0x400, $0x38;
	[tilespmem:$0x11810] =	vst v63  }
0x1f: {  	s3 =	rddreg [dreg:$0x9]  }
0x20: {  	[tilespmem:s21], [sflag:$0x2] =	stream.linear.gather [hbm4b:s3+s6], $0x400, $0x38;
	[tilespmem:$0x11810] =	vst v63  }
0x21: {  	_ =	swait.ge [sflag:s22], $0x800  }
0x22: {  	[sflag:s22] =	ssyncset.done $0x0  }
0x23: {  	[sflag:s22] =	ssyncadd.s32 $0xFFFFF800  }
0x24: {  	[tilespmem:s24], [sflag:$0x3] =	stream.indirect.gather [hbm4b:s8+s23], $0x10, s6, s23, $0xb8;
	[tilespmem:$0x11810] =	vst v63  }
0x25: {  	_ = 	snop  }
0x26: {  	[tilespmem:s25], [sflag:$0x3] =	stream.indirect.gather [hbm4b:s8+s23], $0x10, s19, s23, $0xb8;
	[tilespmem:$0x11810] =	vst v63  }
0x27: {  	s9 =	simm.s32 $0x1800  }
0x28: {  	[tilespmem:s9], [sflag:$0x3] =	stream.indirect.gather [hbm4b:s8+s23], $0x10, s23, s23, $0xb8;
	[tilespmem:$0x11810] =	vst v63  }
0x29: {  	s16 =	simm.s32 $0x480;
	s18 =	simm.s32 $0x9800  }
0x2a: {  	[tilespmem:s18], [sflag:$0x3] =	stream.indirect.gather [hbm4b:s8+s23], $0x10, s16, s23, $0xb8;
	[tilespmem:$0x11810] =	vst v63  }
0x2b: {  	s3 =	simm.s32 $0x100;
	s9 =	simm.s32 $0x2000  }
0x2c: {  	[tilespmem:s9], [sflag:$0x3] =	stream.indirect.gather [hbm4b:s8+s23], $0x10, s3, s23, $0xb8;
	[tilespmem:$0x11810] =	vst v63  }
0x2d: {  	s16 =	simm.s32 $0x500;
	s18 =	simm.s32 $0xA000  }
0x2e: {  	[tilespmem:s18], [sflag:$0x3] =	stream.indirect.gather [hbm4b:s8+s23], $0x10, s16, s23, $0xb8;
	[tilespmem:$0x11810] =	vst v63  }
0x2f: {  	s3 =	simm.s32 $0x180;
	s9 =	simm.s32 $0x2800  }
0x30: {  	[tilespmem:s9], [sflag:$0x3] =	stream.indirect.gather [hbm4b:s8+s23], $0x10, s3, s23, $0xb8;
	[tilespmem:$0x11810] =	vst v63  }
0x31: {  	s16 =	simm.s32 $0x580;
	s18 =	simm.s32 $0xA800  }
0x32: {  	[tilespmem:s18], [sflag:$0x3] =	stream.indirect.gather [hbm4b:s8+s23], $0x10, s16, s23, $0xb8;
	[tilespmem:$0x11810] =	vst v63  }
0x33: {  	s3 =	simm.s32 $0x200;
	s9 =	simm.s32 $0x3000  }
0x34: {  	[tilespmem:s9], [sflag:$0x3] =	stream.indirect.gather [hbm4b:s8+s23], $0x10, s3, s23, $0xb8;
	[tilespmem:$0x11810] =	vst v63  }
0x35: {  	s16 =	simm.s32 $0x600;
	s18 =	simm.s32 $0xB000  }
0x36: {  	[tilespmem:s18], [sflag:$0x3] =	stream.indirect.gather [hbm4b:s8+s23], $0x10, s16, s23, $0xb8;
	[tilespmem:$0x11810] =	vst v63  }
0x37: {  	s3 =	simm.s32 $0x280;
	s9 =	simm.s32 $0x3800  }
0x38: {  	[tilespmem:s9], [sflag:$0x3] =	stream.indirect.gather [hbm4b:s8+s23], $0x10, s3, s23, $0xb8;
	[tilespmem:$0x11810] =	vst v63  }
0x39: {  	s16 =	simm.s32 $0x680;
	s18 =	simm.s32 $0xB800  }
0x3a: {  	[tilespmem:s18], [sflag:$0x3] =	stream.indirect.gather [hbm4b:s8+s23], $0x10, s16, s23, $0xb8;
	[tilespmem:$0x11810] =	vst v63  }
0x3b: {  	s3 =	simm.s32 $0x300;
	s9 =	simm.s32 $0x4000  }
0x3c: {  	[tilespmem:s9], [sflag:$0x3] =	stream.indirect.gather [hbm4b:s8+s23], $0x10, s3, s23, $0xb8;
	[tilespmem:$0x11810] =	vst v63  }
0x3d: {  	s16 =	simm.s32 $0x700;
	s18 =	simm.s32 $0xC000  }
0x3e: {  	[tilespmem:s18], [sflag:$0x3] =	stream.indirect.gather [hbm4b:s8+s23], $0x10, s16, s23, $0xb8;
	[tilespmem:$0x11810] =	vst v63  }
0x3f: {  	s3 =	simm.s32 $0x380;
	s9 =	simm.s32 $0x4800  }
0x40: {  	[tilespmem:s9], [sflag:$0x3] =	stream.indirect.gather [hbm4b:s8+s23], $0x10, s3, s23, $0xb8;
	[tilespmem:$0x11810] =	vst v63  }
0x41: {  	s16 =	simm.s32 $0x780;
	s18 =	simm.s32 $0xC800  }
0x42: {  	[tilespmem:s18], [sflag:$0x3] =	stream.indirect.gather [hbm4b:s8+s23], $0x10, s16, s23, $0xb8;
	[tilespmem:$0x11810] =	vst v63  }
0x43: {  	s9 =	rddreg [dreg:$0xa];
	s16 =	simm.s32 $0x11000  }
0x44: {  	[hbm4b:s9+s6] =	stream.linear.scatter [tilespmem:s16], [sflag:$0x5], $0x400, $0x38;
	[tilespmem:$0x11810] =	vst v63  }
0x45: {  	s30 =	simm.s32 $0x0;
	s18 =	simm.s32 $0x11400  }
0x46: {  	[hbm4b:s9+s6] =	stream.linear.scatter [tilespmem:s18], [sflag:$0x6], $0x400, $0x38;
	[tilespmem:$0x11810] =	vst v63  }
.LBB2_2:
0x47: {  	_ =	swait.ge [sflag:s13], $0x4000  }
0x48: {  	s16 =	sshll.u32 s30, $0x6;
	[sflag:s13] =	ssyncset.done $0x0  }
0x49: {  	s3 =	sadd.s32 s14, s16;
	[sflag:s13] =	ssyncadd.s32 $0xFFFFC000  }
0x4a: {  	p0 =	slt.u32 s3, $0x186A;
	s3 =	sshll.u32 s3, $0x7;
	_ =	swait.ge [sflag:s13], $0x4000  }
0x4b: {  	s3 =	simm.s32 @!p0 $0x0;
	[sflag:s13] =	ssyncset.done $0x0  }
0x4c: {  	s0 =	simm.s32 $0x0;
	s18 =	sadd.s32 s1, s3;
	[sflag:s13] =	ssyncadd.s32 $0xFFFFC000  }
0x4d: {  	[tilespmem:s0], [sflag:$0x1] =	stream.linear.gather [hbm4b:s18+s0], $0x400, $0x38;
	[tilespmem:$0x11810] =	vst v63  }
0x4e: {  	s3 =	sadd.s32 s2, s3  }
0x4f: {  	[tilespmem:s19], [sflag:$0x1] =	stream.linear.gather [hbm4b:s3+s0], $0x400, $0x38;
	[tilespmem:$0x11810] =	vst v63  }
0x50: {  	_ =	swait.ge [sflag:s26], $0x800  }
0x51: {  	[sflag:s26] =	ssyncset.done $0x0  }
0x52: {  	[sflag:s26] =	ssyncadd.s32 $0xFFFFF800  }
0x53: {  	[tilespmem:s28], [sflag:$0x4] =	stream.indirect.gather [hbm4b:s8+s23], $0x10, s20, s23, $0xb8;
	[tilespmem:$0x11810] =	vst v63  }
0x54: {  	_ = 	snop  }
0x55: {  	[tilespmem:s29], [sflag:$0x4] =	stream.indirect.gather [hbm4b:s8+s23], $0x10, s21, s23, $0xb8;
	[tilespmem:$0x11810] =	vst v63  }
0x56: {  	s9 =	simm.s32 $0x5800;
	s18 =	simm.s32 $0x880  }
0x57: {  	[tilespmem:s9], [sflag:$0x4] =	stream.indirect.gather [hbm4b:s8+s23], $0x10, s18, s23, $0xb8;
	[tilespmem:$0x11810] =	vst v63  }
0x58: {  	s9 =	simm.s32 $0xC80;
	s18 =	simm.s32 $0xD800  }
0x59: {  	[tilespmem:s18], [sflag:$0x4] =	stream.indirect.gather [hbm4b:s8+s23], $0x10, s9, s23, $0xb8;
	[tilespmem:$0x11810] =	vst v63  }
0x5a: {  	s9 =	simm.s32 $0x900;
	s18 =	simm.s32 $0x6000  }
0x5b: {  	[tilespmem:s18], [sflag:$0x4] =	stream.indirect.gather [hbm4b:s8+s23], $0x10, s9, s23, $0xb8;
	[tilespmem:$0x11810] =	vst v63  }
0x5c: {  	s9 =	simm.s32 $0xD00;
	s18 =	simm.s32 $0xE000  }
0x5d: {  	[tilespmem:s18], [sflag:$0x4] =	stream.indirect.gather [hbm4b:s8+s23], $0x10, s9, s23, $0xb8;
	[tilespmem:$0x11810] =	vst v63  }
0x5e: {  	s9 =	simm.s32 $0x980;
	s18 =	simm.s32 $0x6800  }
0x5f: {  	[tilespmem:s18], [sflag:$0x4] =	stream.indirect.gather [hbm4b:s8+s23], $0x10, s9, s23, $0xb8;
	[tilespmem:$0x11810] =	vst v63  }
0x60: {  	s9 =	simm.s32 $0xD80;
	s18 =	simm.s32 $0xE800  }
0x61: {  	[tilespmem:s18], [sflag:$0x4] =	stream.indirect.gather [hbm4b:s8+s23], $0x10, s9, s23, $0xb8;
	[tilespmem:$0x11810] =	vst v63  }
0x62: {  	s9 =	simm.s32 $0xA00;
	s18 =	simm.s32 $0x7000  }
0x63: {  	[tilespmem:s18], [sflag:$0x4] =	stream.indirect.gather [hbm4b:s8+s23], $0x10, s9, s23, $0xb8;
	[tilespmem:$0x11810] =	vst v63  }
0x64: {  	s9 =	simm.s32 $0xE00;
	s18 =	simm.s32 $0xF000  }
0x65: {  	[tilespmem:s18], [sflag:$0x4] =	stream.indirect.gather [hbm4b:s8+s23], $0x10, s9, s23, $0xb8;
	[tilespmem:$0x11810] =	vst v63  }
0x66: {  	s9 =	simm.s32 $0xA80;
	s18 =	simm.s32 $0x7800  }
0x67: {  	[tilespmem:s18], [sflag:$0x4] =	stream.indirect.gather [hbm4b:s8+s23], $0x10, s9, s23, $0xb8;
	[tilespmem:$0x11810] =	vst v63  }
0x68: {  	s9 =	simm.s32 $0xE80;
	s18 =	simm.s32 $0xF800  }
0x69: {  	[tilespmem:s18], [sflag:$0x4] =	stream.indirect.gather [hbm4b:s8+s23], $0x10, s9, s23, $0xb8;
	[tilespmem:$0x11810] =	vst v63  }
0x6a: {  	s9 =	simm.s32 $0xB00;
	s18 =	simm.s32 $0x8000  }
0x6b: {  	[tilespmem:s18], [sflag:$0x4] =	stream.indirect.gather [hbm4b:s8+s23], $0x10, s9, s23, $0xb8;
	[tilespmem:$0x11810] =	vst v63  }
0x6c: {  	s9 =	simm.s32 $0xF00;
	s18 =	simm.s32 $0x10000  }
0x6d: {  	v1 =	vmov s0;
	[tilespmem:s18], [sflag:$0x4] =	stream.indirect.gather [hbm4b:s8+s23], $0x10, s9, s23, $0xb8;
	[tilespmem:$0x11810] =	vst v63  }
0x6e: {  	v1 =	vshll.u32 v1, $0x4;
	s9 =	simm.s32 $0xB80;
	s18 =	simm.s32 $0x8800  }
0x6f: {  	v1 =	vor.u32 v0, v1;
	[tilespmem:s18], [sflag:$0x4] =	stream.indirect.gather [hbm4b:s8+s23], $0x10, s9, s23, $0xb8;
	[tilespmem:$0x11810] =	vst v63  }
0x70: {  	v2 =	vor.u32 $0x2, v1  }
0x71: {  	[tilespmem:s31], [sflag:$0x4] =	stream.indirect.gather [hbm4b:s8+s23], $0x10, s10, s23, $0xb8;
	[tilespmem:$0x11810] =	vst v63  }
0x72: {  	_ =	swait.ge [sflag:s11], $0x400  }
0x73: {  	v3 =	vor.u32 $0x1, v1;
	[sflag:s11] =	ssyncset.done $0x0  }
0x74: {  	[sflag:s11] =	ssyncadd.s32 $0xFFFFFC00  }
0x75: {  	v4 =	vor.u32 $0x3, v1;
	v5 =	vld.idx.msk [tilespmem:v2+s24+$0x0], $0xffff  }
0x76: {  	v6 =	vld.idx.msk [tilespmem:v1+s25+$0x0], $0xffff  }
0x77: {  	v1 =	vld.idx.msk [tilespmem:v1+s24+$0x0], $0xffff  }
0x78: {  	v7 =	vld.idx.msk [tilespmem:v3+s24+$0x0], $0xffff  }
0x79: {  	v3 =	vld.idx.msk [tilespmem:v3+s25+$0x0], $0xffff  }
0x7a: {  	v8 =	vld.idx.msk [tilespmem:v4+s24+$0x0], $0xffff  }
0x7b: {  	v2 =	vld.idx.msk [tilespmem:v2+s25+$0x0], $0xffff  }
0x7c: {  	v4 =	vld.idx.msk [tilespmem:v4+s25+$0x0], $0xffff;
	_ =	sdelay $0x1  }
0x7d: {  	v1 =	vsub.f32 v1, v6;
	v3 =	vsub.f32 v7, v3  }
0x7e: {  	v6 =	vtrunc.f32 v8  }
0x7f: {  	v2 =	vsub.f32 v5, v2;
	v1 =	vmul.f32 v1, v1;
	v3 =	vmul.f32 v3, v3  }
0x80: {  	v4 =	vtrunc.f32 v4;
	v5 =	vcvt.f32.s32 v6  }
0x81: {  	v4 =	vcvt.f32.s32 v4;
	v2 =	vmul.f32 v2, v2;
	v1 =	vadd.f32 v3, v1  }
0x82: {  	v3 =	vshll.u32 v5, $0x2  }
0x83: {  	v3 =	vadd.s32 v4, v3;
	v1 =	vadd.f32 v2, v1;
	_ =	sdelay $0x1  }
0x84: {  	(erf) = vrcp.f32 v1;
	_ =	sdelay $0x2  }
0x85: {  	v1 =	vld.idx.msk [tilespmem:v3+s17+$0x0], $0xffff;
	_ =	sdelay $0x4  }
0x86: {  	s9 =	simm.s32 $0x10;
	v1 =	vmul.f32 v1, v1  }
0x87: {  	v2 =	vmov s9;
	v3 =	vpop (erf)  }
0x88: {  	v2 =	vshll.u32 v2, $0x4;
	v1 =	vmul.f32 v3, v1  }
0x89: {  	v2 =	vor.u32 v0, v2  }
0x8a: {  	v3 =	vor.u32 $0x2, v2;
	v4 =	vmul.f32 v1, v1;
	_ =	sdelay $0x1  }
0x8b: {  	v1 =	vmul.f32 v4, v1  }
0x8c: {  	s3 =	simm.s32 $0x11000;
	v4 =	vor.u32 $0x1, v2  }
0x8d: {  	[tilespmem:s3+$0x0] =	vst v1  }
0x8e: {  	v5 =	vld.idx.msk [tilespmem:v3+s24+$0x0], $0xffff  }
0x8f: {  	v1 =	vor.u32 $0x3, v2;
	v6 =	vld.idx.msk [tilespmem:v2+s25+$0x0], $0xffff  }
0x90: {  	v2 =	vld.idx.msk [tilespmem:v2+s24+$0x0], $0xffff  }
0x91: {  	v7 =	vld.idx.msk [tilespmem:v4+s24+$0x0], $0xffff  }
0x92: {  	v4 =	vld.idx.msk [tilespmem:v4+s25+$0x0], $0xffff  }
0x93: {  	v3 =	vld.idx.msk [tilespmem:v3+s25+$0x0], $0xffff  }
0x94: {  	v63 =	vld.idx.msk [tilespmem:v1+s24+$0x0], $0xffff  }
0x95: {  	v1 =	vld.idx.msk [tilespmem:v1+s25+$0x0], $0xffff  }
0x96: {  	v2 =	vsub.f32 v2, v6  }
0x97: {  	v4 =	vsub.f32 v7, v4  }
0x98: {  	v2 =	vmul.f32 v2, v2  }
0x99: {  	v3 =	vsub.f32 v5, v3;
	v6 =	vtrunc.f32 v63;
	v4 =	vmul.f32 v4, v4  }
0x9a: {  	v1 =	vtrunc.f32 v1;
	v5 =	vcvt.f32.s32 v6  }
0x9b: {  	v3 =	vmul.f32 v3, v3;
	v1 =	vcvt.f32.s32 v1;
	v2 =	vadd.f32 v4, v2  }
0x9c: {  	v4 =	vshll.u32 v5, $0x2  }
0x9d: {  	v1 =	vadd.s32 v1, v4;
	v2 =	vadd.f32 v3, v2;
	_ =	sdelay $0x1  }
0x9e: {  	(erf) = vrcp.f32 v2;
	_ =	sdelay $0x2  }
0x9f: {  	v1 =	vld.idx.msk [tilespmem:v1+s17+$0x0], $0xffff;
	_ =	sdelay $0x4  }
0xa0: {  	v1 =	vmul.f32 v1, v1  }
0xa1: {  	s18 =	simm.s32 $0x20;
	v2 =	vpop (erf)  }
0xa2: {  	v4 =	vmul.f32 v2, v1;
	v1 =	vmov s18  }
0xa3: {  	v1 =	vshll.u32 v1, $0x4  }
0xa4: {  	v3 =	vor.u32 v0, v1  }
0xa5: {  	v5 =	vmul.f32 v4, v4;
	v1 =	vor.u32 $0x2, v3  }
0xa6: {  	v2 =	vor.u32 $0x3, v3  }
0xa7: {  	s18 =	simm.s32 $0x30;
	v4 =	vmul.f32 v5, v4  }
.LBB2_3:
0xa8: {  	p0 =	sne.s32 s18, $0x3F0;
	s3 =	sadd.s32 $0x10, s3  }
0xa9: {  	v5 =	vor.u32 $0x1, v3;
	[tilespmem:s3+$0x0] =	vst v4  }
0xaa: {  	v4 =	vld.idx.msk [tilespmem:v1+s24+$0x0], $0xffff  }
0xab: {  	v6 =	vld.idx.msk [tilespmem:v2+s25+$0x0], $0xffff  }
0xac: {  	v7 =	vld.idx.msk [tilespmem:v3+s25+$0x0], $0xffff  }
0xad: {  	v3 =	vld.idx.msk [tilespmem:v3+s24+$0x0], $0xffff  }
0xae: {  	v8 =	vld.idx.msk [tilespmem:v5+s24+$0x0], $0xffff  }
0xaf: {  	v5 =	vld.idx.msk [tilespmem:v5+s25+$0x0], $0xffff  }
0xb0: {  	v2 =	vld.idx.msk [tilespmem:v2+s24+$0x0], $0xffff  }
0xb1: {  	v1 =	vld.idx.msk [tilespmem:v1+s25+$0x0], $0xffff;
	_ =	sdelay $0x2  }
0xb2: {  	v3 =	vsub.f32 v3, v7  }
0xb3: {  	v6 =	vtrunc.f32 v6;
	v5 =	vsub.f32 v8, v5  }
0xb4: {  	v3 =	vmul.f32 v3, v3;
	v2 =	vtrunc.f32 v2  }
0xb5: {  	v1 =	vsub.f32 v4, v1;
	v4 =	vmul.f32 v5, v5;
	v2 =	vcvt.f32.s32 v2  }
0xb6: {  	v5 =	vcvt.f32.s32 v6  }
0xb7: {  	v3 =	vadd.f32 v4, v3;
	v1 =	vmul.f32 v1, v1;
	v2 =	vshll.u32 v2, $0x2  }
0xb8: {  	v2 =	vadd.s32 v5, v2  }
0xb9: {  	v1 =	vadd.f32 v1, v3;
	_ =	sdelay $0x1  }
0xba: {  	(erf) = vrcp.f32 v1;
	_ =	sdelay $0x1  }
0xbb: {  	v1 =	vld.idx.msk [tilespmem:v2+s17+$0x0], $0xffff;
	_ =	sdelay $0x5  }
0xbc: {  	v1 =	vmul.f32 v1, v1  }
0xbd: {  	v2 =	vmov s18;
	v3 =	vpop (erf)  }
.Ltmp0:
0xbe: {  	v2 =	vshll.u32 v2, $0x4;
	v4 =	vmul.f32 v3, v1;
	(pc) =	sbr.rel @p0 .LBB2_3-.Ltmp0, $4  }
0xbf: {  	v3 =	vor.u32 v0, v2  }
0xc0: {  	v1 =	vor.u32 $0x2, v3;
	v5 =	vmul.f32 v4, v4  }
0xc1: {  	v2 =	vor.u32 $0x3, v3  }
0xc2: {  	s18 =	sadd.s32 $0x10, s18;
	v4 =	vmul.f32 v5, v4  }
0xc3: {  	_ =	sdelay $0x1  }
0xc4: {  	s0 =	sadd.s32 $0x10, s3;
	v5 =	vor.u32 $0x1, v3  }
0xc5: {  	[tilespmem:s0+$0x0] =	vst v4  }
0xc6: {  	v4 =	vld.idx.msk [tilespmem:v1+s24+$0x0], $0xffff  }
0xc7: {  	v6 =	vld.idx.msk [tilespmem:v3+s25+$0x0], $0xffff  }
0xc8: {  	v3 =	vld.idx.msk [tilespmem:v3+s24+$0x0], $0xffff  }
0xc9: {  	v7 =	vld.idx.msk [tilespmem:v5+s24+$0x0], $0xffff  }
0xca: {  	v5 =	vld.idx.msk [tilespmem:v5+s25+$0x0], $0xffff  }
0xcb: {  	v8 =	vld.idx.msk [tilespmem:v2+s24+$0x0], $0xffff  }
0xcc: {  	v1 =	vld.idx.msk [tilespmem:v1+s25+$0x0], $0xffff  }
0xcd: {  	v2 =	vld.idx.msk [tilespmem:v2+s25+$0x0], $0xffff;
	_ =	sdelay $0x1  }
0xce: {  	v3 =	vsub.f32 v3, v6;
	v5 =	vsub.f32 v7, v5  }
0xcf: {  	v6 =	vtrunc.f32 v8  }
0xd0: {  	v1 =	vsub.f32 v4, v1;
	v3 =	vmul.f32 v3, v3;
	v4 =	vmul.f32 v5, v5  }
0xd1: {  	v2 =	vtrunc.f32 v2;
	v5 =	vcvt.f32.s32 v6  }
0xd2: {  	v2 =	vcvt.f32.s32 v2;
	v1 =	vmul.f32 v1, v1;
	v3 =	vadd.f32 v4, v3  }
0xd3: {  	v4 =	vshll.u32 v5, $0x2  }
0xd4: {  	v2 =	vadd.s32 v2, v4;
	v1 =	vadd.f32 v1, v3;
	_ =	sdelay $0x1  }
0xd5: {  	(erf) = vrcp.f32 v1;
	_ =	sdelay $0x2  }
0xd6: {  	v1 =	vld.idx.msk [tilespmem:v2+s17+$0x0], $0xffff;
	_ =	sdelay $0x4  }
0xd7: {  	v1 =	vmul.f32 v1, v1  }
0xd8: {  	v2 =	vpop (erf)  }
0xd9: {  	v1 =	vmul.f32 v2, v1;
	_ =	sdelay $0x1  }
0xda: {  	v2 =	vmul.f32 v1, v1;
	_ =	sdelay $0x1  }
0xdb: {  	s3 =	sor.u32 s7, s16;
	v1 =	vmul.f32 v2, v1  }
0xdc: {  	s0 =	sadd.s32 $0x10, s0;
	s18 =	sshll.u32 s3, $0x7  }
0xdd: {  	s9 =	simm.s32 $0x11000;
	[tilespmem:s0+$0x0] =	vst v1;
	s0 =	sadd.s32 s5, s18;
	s18 =	simm.s32 $0x0  }
0xde: {  	[hbm4b:s0+s18] =	stream.linear.scatter [tilespmem:s9], [sflag:$0x5], $0x400, $0x38;
	[tilespmem:$0x11810] =	vst v63  }
0xdf: {  	_ =	swait.ge [sflag:s4], $0x4000  }
0xe0: {  	[sflag:s4] =	ssyncset.done $0x0  }
0xe1: {  	s16 =	sadd.s32 s15, s16;
	[sflag:s4] =	ssyncadd.s32 $0xFFFFC000  }
0xe2: {  	p0 =	slt.u32 s16, $0x186A;
	s0 =	sshll.u32 s16, $0x7;
	_ =	swait.ge [sflag:s4], $0x4000  }
0xe3: {  	s0 =	simm.s32 @!p0 $0x0;
	[sflag:s4] =	ssyncset.done $0x0  }
0xe4: {  	s9 =	sadd.s32 s1, s0;
	[sflag:s4] =	ssyncadd.s32 $0xFFFFC000  }
0xe5: {  	[tilespmem:s20], [sflag:$0x2] =	stream.linear.gather [hbm4b:s9+s18], $0x400, $0x38;
	[tilespmem:$0x11810] =	vst v63  }
0xe6: {  	s0 =	sadd.s32 s2, s0  }
0xe7: {  	[tilespmem:s21], [sflag:$0x2] =	stream.linear.gather [hbm4b:s0+s18], $0x400, $0x38;
	[tilespmem:$0x11810] =	vst v63  }
0xe8: {  	_ =	swait.ge [sflag:s22], $0x800  }
0xe9: {  	[sflag:s22] =	ssyncset.done $0x0  }
0xea: {  	[sflag:s22] =	ssyncadd.s32 $0xFFFFF800  }
0xeb: {  	[tilespmem:s24], [sflag:$0x3] =	stream.indirect.gather [hbm4b:s8+s23], $0x10, s18, s23, $0xb8;
	[tilespmem:$0x11810] =	vst v63  }
0xec: {  	_ = 	snop  }
0xed: {  	[tilespmem:s25], [sflag:$0x3] =	stream.indirect.gather [hbm4b:s8+s23], $0x10, s19, s23, $0xb8;
	[tilespmem:$0x11810] =	vst v63  }
0xee: {  	s9 =	simm.s32 $0x1800  }
0xef: {  	[tilespmem:s9], [sflag:$0x3] =	stream.indirect.gather [hbm4b:s8+s23], $0x10, s23, s23, $0xb8;
	[tilespmem:$0x11810] =	vst v63  }
0xf0: {  	s16 =	simm.s32 $0x480;
	s9 =	simm.s32 $0x9800  }
0xf1: {  	[tilespmem:s9], [sflag:$0x3] =	stream.indirect.gather [hbm4b:s8+s23], $0x10, s16, s23, $0xb8;
	[tilespmem:$0x11810] =	vst v63  }
0xf2: {  	s16 =	simm.s32 $0x100;
	s9 =	simm.s32 $0x2000  }
0xf3: {  	[tilespmem:s9], [sflag:$0x3] =	stream.indirect.gather [hbm4b:s8+s23], $0x10, s16, s23, $0xb8;
	[tilespmem:$0x11810] =	vst v63  }
0xf4: {  	s16 =	simm.s32 $0x500;
	s9 =	simm.s32 $0xA000  }
0xf5: {  	[tilespmem:s9], [sflag:$0x3] =	stream.indirect.gather [hbm4b:s8+s23], $0x10, s16, s23, $0xb8;
	[tilespmem:$0x11810] =	vst v63  }
0xf6: {  	s16 =	simm.s32 $0x180;
	s9 =	simm.s32 $0x2800  }
0xf7: {  	[tilespmem:s9], [sflag:$0x3] =	stream.indirect.gather [hbm4b:s8+s23], $0x10, s16, s23, $0xb8;
	[tilespmem:$0x11810] =	vst v63  }
0xf8: {  	s16 =	simm.s32 $0x580;
	s9 =	simm.s32 $0xA800  }
0xf9: {  	[tilespmem:s9], [sflag:$0x3] =	stream.indirect.gather [hbm4b:s8+s23], $0x10, s16, s23, $0xb8;
	[tilespmem:$0x11810] =	vst v63  }
0xfa: {  	s16 =	simm.s32 $0x200;
	s9 =	simm.s32 $0x3000  }
0xfb: {  	[tilespmem:s9], [sflag:$0x3] =	stream.indirect.gather [hbm4b:s8+s23], $0x10, s16, s23, $0xb8;
	[tilespmem:$0x11810] =	vst v63  }
0xfc: {  	s16 =	simm.s32 $0x600;
	s9 =	simm.s32 $0xB000  }
0xfd: {  	[tilespmem:s9], [sflag:$0x3] =	stream.indirect.gather [hbm4b:s8+s23], $0x10, s16, s23, $0xb8;
	[tilespmem:$0x11810] =	vst v63  }
0xfe: {  	s16 =	simm.s32 $0x280;
	s9 =	simm.s32 $0x3800  }
0xff: {  	[tilespmem:s9], [sflag:$0x3] =	stream.indirect.gather [hbm4b:s8+s23], $0x10, s16, s23, $0xb8;
	[tilespmem:$0x11810] =	vst v63  }
0x100: {  	s16 =	simm.s32 $0x680;
	s9 =	simm.s32 $0xB800  }
0x101: {  	[tilespmem:s9], [sflag:$0x3] =	stream.indirect.gather [hbm4b:s8+s23], $0x10, s16, s23, $0xb8;
	[tilespmem:$0x11810] =	vst v63  }
0x102: {  	s16 =	simm.s32 $0x300;
	s9 =	simm.s32 $0x4000  }
0x103: {  	[tilespmem:s9], [sflag:$0x3] =	stream.indirect.gather [hbm4b:s8+s23], $0x10, s16, s23, $0xb8;
	[tilespmem:$0x11810] =	vst v63  }
0x104: {  	s16 =	simm.s32 $0x700;
	s9 =	simm.s32 $0xC000  }
0x105: {  	v1 =	vmov s18;
	[tilespmem:s9], [sflag:$0x3] =	stream.indirect.gather [hbm4b:s8+s23], $0x10, s16, s23, $0xb8;
	[tilespmem:$0x11810] =	vst v63  }
0x106: {  	v1 =	vshll.u32 v1, $0x4;
	s18 =	simm.s32 $0x380;
	s9 =	simm.s32 $0x4800  }
0x107: {  	v1 =	vor.u32 v0, v1;
	[tilespmem:s9], [sflag:$0x3] =	stream.indirect.gather [hbm4b:s8+s23], $0x10, s18, s23, $0xb8;
	[tilespmem:$0x11810] =	vst v63  }
0x108: {  	v2 =	vor.u32 $0x2, v1;
	s18 =	simm.s32 $0x780;
	s9 =	simm.s32 $0xC800  }
0x109: {  	[tilespmem:s9], [sflag:$0x3] =	stream.indirect.gather [hbm4b:s8+s23], $0x10, s18, s23, $0xb8;
	[tilespmem:$0x11810] =	vst v63  }
0x10a: {  	_ =	swait.ge [sflag:s12], $0x400  }
0x10b: {  	v3 =	vor.u32 $0x1, v1;
	[sflag:s12] =	ssyncset.done $0x0  }
0x10c: {  	[sflag:s12] =	ssyncadd.s32 $0xFFFFFC00  }
0x10d: {  	v4 =	vor.u32 $0x3, v1;
	v5 =	vld.idx.msk [tilespmem:v2+s28+$0x0], $0xffff  }
0x10e: {  	v6 =	vld.idx.msk [tilespmem:v1+s29+$0x0], $0xffff  }
0x10f: {  	v1 =	vld.idx.msk [tilespmem:v1+s28+$0x0], $0xffff  }
0x110: {  	v7 =	vld.idx.msk [tilespmem:v3+s28+$0x0], $0xffff  }
0x111: {  	v3 =	vld.idx.msk [tilespmem:v3+s29+$0x0], $0xffff  }
0x112: {  	v62 =	vld.idx.msk [tilespmem:v4+s28+$0x0], $0xffff  }
0x113: {  	v2 =	vld.idx.msk [tilespmem:v2+s29+$0x0], $0xffff  }
0x114: {  	v4 =	vld.idx.msk [tilespmem:v4+s29+$0x0], $0xffff;
	_ =	sdelay $0x1  }
0x115: {  	v1 =	vsub.f32 v1, v6;
	v3 =	vsub.f32 v7, v3  }
0x116: {  	v6 =	vtrunc.f32 v62  }
0x117: {  	v2 =	vsub.f32 v5, v2;
	v1 =	vmul.f32 v1, v1;
	v3 =	vmul.f32 v3, v3  }
0x118: {  	v4 =	vtrunc.f32 v4;
	v5 =	vcvt.f32.s32 v6  }
0x119: {  	v4 =	vcvt.f32.s32 v4;
	v2 =	vmul.f32 v2, v2;
	v1 =	vadd.f32 v3, v1  }
0x11a: {  	v3 =	vshll.u32 v5, $0x2  }
0x11b: {  	v3 =	vadd.s32 v4, v3;
	v1 =	vadd.f32 v2, v1;
	_ =	sdelay $0x1  }
0x11c: {  	(erf) = vrcp.f32 v1;
	_ =	sdelay $0x2  }
0x11d: {  	v1 =	vld.idx.msk [tilespmem:v3+s17+$0x0], $0xffff;
	_ =	sdelay $0x4  }
0x11e: {  	s16 =	simm.s32 $0x10;
	v1 =	vmul.f32 v1, v1  }
0x11f: {  	v2 =	vmov s16;
	v3 =	vpop (erf)  }
0x120: {  	v2 =	vshll.u32 v2, $0x4;
	v1 =	vmul.f32 v3, v1  }
0x121: {  	v2 =	vor.u32 v0, v2  }
0x122: {  	v3 =	vor.u32 $0x2, v2;
	v4 =	vmul.f32 v1, v1;
	_ =	sdelay $0x1  }
0x123: {  	v1 =	vmul.f32 v4, v1  }
0x124: {  	s16 =	simm.s32 $0x11400;
	v4 =	vor.u32 $0x1, v2  }
0x125: {  	[tilespmem:s16+$0x0] =	vst v1  }
0x126: {  	v5 =	vld.idx.msk [tilespmem:v3+s28+$0x0], $0xffff  }
0x127: {  	v1 =	vor.u32 $0x3, v2;
	v6 =	vld.idx.msk [tilespmem:v2+s29+$0x0], $0xffff  }
0x128: {  	v2 =	vld.idx.msk [tilespmem:v2+s28+$0x0], $0xffff  }
0x129: {  	v7 =	vld.idx.msk [tilespmem:v4+s28+$0x0], $0xffff  }
0x12a: {  	v4 =	vld.idx.msk [tilespmem:v4+s29+$0x0], $0xffff  }
0x12b: {  	v3 =	vld.idx.msk [tilespmem:v3+s29+$0x0], $0xffff  }
0x12c: {  	v63 =	vld.idx.msk [tilespmem:v1+s28+$0x0], $0xffff  }
0x12d: {  	v1 =	vld.idx.msk [tilespmem:v1+s29+$0x0], $0xffff  }
0x12e: {  	v2 =	vsub.f32 v2, v6  }
0x12f: {  	v4 =	vsub.f32 v7, v4  }
0x130: {  	v2 =	vmul.f32 v2, v2  }
0x131: {  	v3 =	vsub.f32 v5, v3;
	v6 =	vtrunc.f32 v63;
	v4 =	vmul.f32 v4, v4  }
0x132: {  	v1 =	vtrunc.f32 v1;
	v5 =	vcvt.f32.s32 v6  }
0x133: {  	v3 =	vmul.f32 v3, v3;
	v1 =	vcvt.f32.s32 v1;
	v2 =	vadd.f32 v4, v2  }
0x134: {  	v4 =	vshll.u32 v5, $0x2  }
0x135: {  	v1 =	vadd.s32 v1, v4;
	v2 =	vadd.f32 v3, v2;
	_ =	sdelay $0x1  }
0x136: {  	(erf) = vrcp.f32 v2;
	_ =	sdelay $0x2  }
0x137: {  	v1 =	vld.idx.msk [tilespmem:v1+s17+$0x0], $0xffff;
	_ =	sdelay $0x4  }
0x138: {  	v1 =	vmul.f32 v1, v1  }
0x139: {  	s18 =	simm.s32 $0x20;
	v2 =	vpop (erf)  }
0x13a: {  	v4 =	vmul.f32 v2, v1;
	v1 =	vmov s18  }
0x13b: {  	v1 =	vshll.u32 v1, $0x4  }
0x13c: {  	v3 =	vor.u32 v0, v1  }
0x13d: {  	v5 =	vmul.f32 v4, v4;
	v1 =	vor.u32 $0x2, v3  }
0x13e: {  	v2 =	vor.u32 $0x3, v3  }
0x13f: {  	s18 =	simm.s32 $0x30;
	v4 =	vmul.f32 v5, v4  }
.LBB2_5:
0x140: {  	p0 =	sne.s32 s18, $0x3F0;
	s16 =	sadd.s32 $0x10, s16  }
0x141: {  	v5 =	vor.u32 $0x1, v3;
	[tilespmem:s16+$0x0] =	vst v4  }
0x142: {  	v4 =	vld.idx.msk [tilespmem:v1+s28+$0x0], $0xffff  }
0x143: {  	v6 =	vld.idx.msk [tilespmem:v2+s29+$0x0], $0xffff  }
0x144: {  	v7 =	vld.idx.msk [tilespmem:v3+s29+$0x0], $0xffff  }
0x145: {  	v3 =	vld.idx.msk [tilespmem:v3+s28+$0x0], $0xffff  }
0x146: {  	v8 =	vld.idx.msk [tilespmem:v5+s28+$0x0], $0xffff  }
0x147: {  	v5 =	vld.idx.msk [tilespmem:v5+s29+$0x0], $0xffff  }
0x148: {  	v2 =	vld.idx.msk [tilespmem:v2+s28+$0x0], $0xffff  }
0x149: {  	v1 =	vld.idx.msk [tilespmem:v1+s29+$0x0], $0xffff;
	_ =	sdelay $0x2  }
0x14a: {  	v3 =	vsub.f32 v3, v7  }
0x14b: {  	v6 =	vtrunc.f32 v6;
	v5 =	vsub.f32 v8, v5  }
0x14c: {  	v3 =	vmul.f32 v3, v3;
	v2 =	vtrunc.f32 v2  }
0x14d: {  	v1 =	vsub.f32 v4, v1;
	v4 =	vmul.f32 v5, v5;
	v2 =	vcvt.f32.s32 v2  }
0x14e: {  	v5 =	vcvt.f32.s32 v6  }
0x14f: {  	v3 =	vadd.f32 v4, v3;
	v1 =	vmul.f32 v1, v1;
	v2 =	vshll.u32 v2, $0x2  }
0x150: {  	v2 =	vadd.s32 v5, v2  }
0x151: {  	v1 =	vadd.f32 v1, v3;
	_ =	sdelay $0x1  }
0x152: {  	(erf) = vrcp.f32 v1;
	_ =	sdelay $0x1  }
0x153: {  	v1 =	vld.idx.msk [tilespmem:v2+s17+$0x0], $0xffff;
	_ =	sdelay $0x5  }
0x154: {  	v1 =	vmul.f32 v1, v1  }
0x155: {  	v2 =	vmov s18;
	v3 =	vpop (erf)  }
.Ltmp1:
0x156: {  	v2 =	vshll.u32 v2, $0x4;
	v4 =	vmul.f32 v3, v1;
	(pc) =	sbr.rel @p0 .LBB2_5-.Ltmp1, $4  }
0x157: {  	v3 =	vor.u32 v0, v2  }
0x158: {  	v1 =	vor.u32 $0x2, v3;
	v5 =	vmul.f32 v4, v4  }
0x159: {  	v2 =	vor.u32 $0x3, v3  }
0x15a: {  	s18 =	sadd.s32 $0x10, s18;
	v4 =	vmul.f32 v5, v4  }
0x15b: {  	_ =	sdelay $0x1  }
0x15c: {  	s0 =	sadd.s32 $0x10, s16;
	v5 =	vor.u32 $0x1, v3  }
0x15d: {  	[tilespmem:s0+$0x0] =	vst v4  }
0x15e: {  	v4 =	vld.idx.msk [tilespmem:v1+s28+$0x0], $0xffff  }
0x15f: {  	v6 =	vld.idx.msk [tilespmem:v3+s29+$0x0], $0xffff  }
0x160: {  	v3 =	vld.idx.msk [tilespmem:v3+s28+$0x0], $0xffff  }
0x161: {  	v7 =	vld.idx.msk [tilespmem:v5+s28+$0x0], $0xffff  }
0x162: {  	v5 =	vld.idx.msk [tilespmem:v5+s29+$0x0], $0xffff  }
0x163: {  	v8 =	vld.idx.msk [tilespmem:v2+s28+$0x0], $0xffff  }
0x164: {  	v1 =	vld.idx.msk [tilespmem:v1+s29+$0x0], $0xffff  }
0x165: {  	v2 =	vld.idx.msk [tilespmem:v2+s29+$0x0], $0xffff;
	_ =	sdelay $0x1  }
0x166: {  	v3 =	vsub.f32 v3, v6;
	v5 =	vsub.f32 v7, v5  }
0x167: {  	v60 =	vtrunc.f32 v8  }
0x168: {  	v1 =	vsub.f32 v4, v1;
	v3 =	vmul.f32 v3, v3;
	v61 =	vmul.f32 v5, v5  }
0x169: {  	v2 =	vtrunc.f32 v2;
	v62 =	vcvt.f32.s32 v60  }
0x16a: {  	v2 =	vcvt.f32.s32 v2;
	v1 =	vmul.f32 v1, v1;
	v3 =	vadd.f32 v61, v3  }
0x16b: {  	v63 =	vshll.u32 v62, $0x2  }
0x16c: {  	v2 =	vadd.s32 v2, v63;
	v1 =	vadd.f32 v1, v3;
	_ =	sdelay $0x1  }
0x16d: {  	(erf) = vrcp.f32 v1;
	_ =	sdelay $0x2  }
0x16e: {  	v1 =	vld.idx.msk [tilespmem:v2+s17+$0x0], $0xffff;
	_ =	sdelay $0x4  }
0x16f: {  	v1 =	vmul.f32 v1, v1  }
0x170: {  	v2 =	vpop (erf)  }
0x171: {  	v1 =	vmul.f32 v2, v1  }
0x172: {  	s30 =	sadd.s32 $0x1, s30  }
0x173: {  	p0 =	sne.s32 s30, $0x62;
	v2 =	vmul.f32 v1, v1  }
.Ltmp2:
0x174: {  	s3 =	sor.u32 $0x20, s3;
	(pc) =	sbr.rel @p0 .LBB2_2-.Ltmp2, $4  }
0x175: {  	s3 =	smin.u32 s3, $0x186A;
	v1 =	vmul.f32 v2, v1  }
0x176: {  	s0 =	sadd.s32 $0x10, s0;
	s3 =	sshll.u32 s3, $0x7  }
0x177: {  	s18 =	simm.s32 $0x11400;
	s16 =	sadd.s32 s5, s3;
	[tilespmem:s0+$0x0] =	vst v1  }
0x178: {  	[hbm4b:s16+s6] =	stream.linear.scatter [tilespmem:s18], [sflag:$0x6], $0x400, $0x38;
	[tilespmem:$0x11810] =	vst v63  }
0x179: {  	_ =	swait.ge [sflag:s13], $0x4000  }
0x17a: {  	[sflag:s13] =	ssyncset.done $0x0  }
0x17b: {  	[sflag:s13] =	ssyncadd.s32 $0xFFFFC000  }
0x17c: {  	_ =	swait.ge [sflag:s13], $0x4000  }
0x17d: {  	[sflag:s13] =	ssyncset.done $0x0  }
0x17e: {  	[sflag:s13] =	ssyncadd.s32 $0xFFFFC000  }
0x17f: {  	_ =	swait.ge [sflag:s26], $0x800  }
0x180: {  	[sflag:s26] =	ssyncset.done $0x0  }
0x181: {  	[sflag:s26] =	ssyncadd.s32 $0xFFFFF800  }
0x182: {  	_ =	swait.ge [sflag:s11], $0x400  }
0x183: {  	[sflag:s11] =	ssyncset.done $0x0  }
0x184: {  	[sflag:s11] =	ssyncadd.s32 $0xFFFFFC00  }
0x185: {  	_ =	swait.ge [sflag:s12], $0x400  }
0x186: {  	s3 =	rddreg [dreg:$0xc]  }
0x187: {  	s0 =	rddreg [dreg:$0xb];
	s3 =	sadd.s32 $0x1, s3  }
0x188: {  	p0 =	sne.s32 s3, s0  }
.Ltmp3:
0x189: {  	_ = 	snop;
	(pc) =	sbr.rel @p0 .LBB2_1-.Ltmp3, $3  }
0x18a: {  	_ =	sdelay $0x1  }
0x18b: {  	[sflag:s12] =	ssyncset.done $0x0  }
0x18c: {  	[sflag:s12] =	ssyncadd.s32 $0xFFFFFC00  }
0x18d: {  	_ =	sfence.sel $0x180000  }
0x18e: {  	[bflag:$0x0] =	sbarrier.arrive $0xFFFF  }
0x18f: {  	_ =	strace $0x90000047  }
0x190: {  	s0 =	stileid.u32;
	[bflag:$0x2] =	sbarrier.arrive $0xFFFF  }
0x191: {  	p0 =	sne.s32 s0, $0x0;
	s0 =	rddreg [dreg:$0x5]  }
0x192: {  	s0 =	sadd.s32 @!p0 $0x100000, s0  }
0x193: {  	[sflag:s0] =	ssyncadd.tile.s32 @!p0 $0x1;
	_ =	shalt  }
.Lfunc_end2:
_tile_overlayer_lowered:
.L_overlay_start_2:
0x194: {  	(tag) =	ssettag $0x2  }
0x195: {  	s0 =	rddreg [dreg:$0x0];
	s2 =	stileid.u32  }
0x196: {  	s1 =	rddreg [dreg:$0x1];
	p0 =	sne.s32 s2, $0x0  }
0x197: {  	s3 =	rddreg [dreg:$0x2];
	[bflag:$0x3] =	sbarrier.arrive $0xFFFF;
	s2 =	simm.s32 @!p0 $0x1C07  }
0x198: {  	[timem:s3], [sflag:s2] =	dma.local @!p0 [hbm:s0], s1  }
0x199: {  	s0 =	simm.s32 @!p0 $0x7  }
0x19a: {  	_ =	swait.ge @!p0 [sflag:s0], s1  }
0x19b: {  	s1 =	ssub.s32 @!p0 $0x0, s1;
	[sflag:s0] =	ssyncset.done @!p0 $0x0  }
0x19c: {  	[sflag:s0] =	ssyncadd.s32 @!p0 s1  }
0x19d: {  	[bflag:$0x3] =	sbarrier.arrive $0xFFFF  }
0x19e: {  	_ =	shalt  }

</sc_bundles>
